<compile_context>
chip_gen: v7x
topology: tpu7x:2x2x1
jax: 0.10.2.dev20260603
libtpu: 0.0.44.dev20260713+nightly
codegen_flags: <defaults>
</compile_context>

<pallas_src>
import functools

import numpy as np
import jax
import jax.numpy as jnp
from jax import lax
from jax.experimental import pallas as pl
from jax.experimental.pallas import tpu as pltpu
from jax.experimental.pallas import tpu_sc as plsc

B = 4096
L = 50
LP1 = L + 1
DIM = 512
VOCAB = 28
MAX_CHARGE = 10

VS = 32
CB = L * VS
TROWS = CB + 16

R = B * LP1
NC = 2
NS = 16
NW = NC * NS
RPW = R // NW
C = 96
NCH = RPW // C
NB = 2
NG = (NCH - 4) // 2


def _positional_encoding_np(length, d_model):
    pos = np.arange(length, dtype=np.float32)[:, None]
    i = np.arange(d_model // 2, dtype=np.float32)[None, :]
    angle = pos / np.power(10000.0, (2.0 * i) / d_model)
    pe = np.zeros((length, d_model), dtype=np.float32)
    pe[:, 0::2] = np.sin(angle)
    pe[:, 1::2] = np.cos(angle)
    return pe


_PE = _positional_encoding_np(L, DIM)


def _prep_body(pe_ref, aa_ref, ch_ref, tok_ref, chg_ref, t3_ref, tc_ref, idx_ref):
    aa = aa_ref[...]
    row = lax.broadcasted_iota(jnp.int32, (VOCAB, DIM), 0)
    aa_z = jnp.where(row == VOCAB - 1, 0.0, aa)
    aa_p = jnp.concatenate(
        [aa_z, jnp.zeros((VS - VOCAB, DIM), jnp.float32)], axis=0)
    pe = pe_ref[...]
    t3_ref[...] = pe[:, None, :] + aa_p[None, :, :]
    ch = ch_ref[...]
    tc_ref[...] = jnp.concatenate(
        [ch, jnp.zeros((TROWS - CB - MAX_CHARGE, DIM), jnp.float32)], axis=0)
    pos_off = lax.broadcasted_iota(jnp.int32, (L, B), 0) * VS
    idx_ref[...] = jnp.concatenate(
        [chg_ref[...] + CB, tok_ref[...] + pos_off], axis=0)


def _prep(tokens, charges):
    return pl.pallas_call(
        _prep_body,
        out_shape=[
            jax.ShapeDtypeStruct((L, VS, DIM), jnp.float32),
            jax.ShapeDtypeStruct((TROWS - CB, DIM), jnp.float32),
            jax.ShapeDtypeStruct((LP1, B), jnp.int32),
        ],
    )


def _gather_body(tab_hbm, idx_hbm, out_hbm, idx_v,
                 b0, b1, g0, g1, s0, s1):
    bufs, gsems, ssems = (b0, b1), (g0, g1), (s0, s1)
    wid = lax.axis_index("s") * NC + lax.axis_index("c")
    cbase = wid * NCH
    pltpu.sync_copy(idx_hbm.at[wid], idx_v)

    def g_start(k, p):
        pltpu.async_copy(tab_hbm.at[idx_v.at[k]], bufs[p], gsems[p])

    def g_wait(p):
        pltpu.make_async_copy(tab_hbm.at[pl.ds(0, C)], bufs[p], gsems[p]).wait()

    def s_start(k, p):
        pltpu.async_copy(bufs[p], out_hbm.at[pl.ds((cbase + k) * C, C)],
                         ssems[p])

    def s_wait(p):
        pltpu.make_async_copy(bufs[p], out_hbm.at[pl.ds(0, C)],
                              ssems[p]).wait()

    g_start(0, 0)
    g_wait(0); s_start(0, 0); g_start(1, 1)

    def group(g, carry):
        for a in range(2):
            k = 2 * g + 1 + a
            p = 1 - a
            g_wait(p)
            s_start(k, p)
            s_wait(1 - p)
            g_start(k + 1, 1 - p)
        return carry

    lax.fori_loop(0, NG, group, 0)

    k0 = NCH - 3
    g_wait(1); s_start(k0, 1); s_wait(0); g_start(k0 + 1, 0)
    g_wait(0); s_start(k0 + 1, 0); s_wait(1); g_start(k0 + 2, 1)
    g_wait(1); s_start(k0 + 2, 1); s_wait(0)
    s_wait(1)


_MESH = plsc.VectorSubcoreMesh(
    core_axis_name="c", subcore_axis_name="s", num_cores=NC, num_subcores=NS)

_sc_gather = functools.partial(
    pl.kernel,
    out_type=jax.ShapeDtypeStruct((R, DIM), jnp.float32),
    mesh=_MESH,
    scratch_types=[
        pltpu.VMEM((NCH, C), jnp.int32),
        pltpu.VMEM((C, DIM), jnp.float32),
        pltpu.VMEM((C, DIM), jnp.float32),
        pltpu.SemaphoreType.DMA,
        pltpu.SemaphoreType.DMA,
        pltpu.SemaphoreType.DMA,
        pltpu.SemaphoreType.DMA,
    ],
)(_gather_body)


def kernel(tokens, charges, aa_table, charge_table):
    tokens_t = tokens.astype(jnp.int32).T
    charges = charges.astype(jnp.int32).reshape(1, B)
    t3, tc, idx = _prep(tokens_t, charges)(
        jnp.asarray(_PE), aa_table, charge_table, tokens_t, charges)
    table = jnp.concatenate([t3.reshape(CB, DIM), tc], axis=0)
    idx2 = idx.reshape(NW, NCH, C)
    out = _sc_gather(table, idx2)
    return jnp.swapaxes(out.reshape(LP1, B, DIM), 0, 1)

# --- scband reference (transcript-rebuilt; emitter-appended) ---
"""Pipeline reference for scband-peptide-transformer-25572235280622 (READ-ONLY COPY).

The authoritative reference and input builder live on the scoring server;
editing this copy changes nothing except your own understanding.
"""

import jax, jax.numpy as jnp
import numpy as np

B = 4096
L = 50
DIM = 512
VOCAB = 28
MAX_CHARGE = 10


def _positional_encoding(length, d_model):
    # Sinusoidal positional encoder (depthcharge PositionalEncoder):
    # sin on even dims, cos on odd dims.
    pos = np.arange(length, dtype=np.float32)[:, None]
    i = np.arange(d_model // 2, dtype=np.float32)[None, :]
    angle = pos / np.power(10000.0, (2.0 * i) / d_model)
    pe = np.zeros((length, d_model), dtype=np.float32)
    pe[:, 0::2] = np.sin(angle)
    pe[:, 1::2] = np.cos(angle)
    return jnp.asarray(pe)


def setup_inputs(seed: int = 0):
    key = jax.random.key(seed)
    k1, k2, k3, k4 = jax.random.split(key, 4)
    tokens = jax.random.randint(k1, (B, L), 0, VOCAB, dtype=jnp.int64 if jax.config.jax_enable_x64 else jnp.int32)
    charges = jax.random.randint(k2, (B,), 0, MAX_CHARGE, dtype=jnp.int64 if jax.config.jax_enable_x64 else jnp.int32)
    aa_table = jax.random.normal(k3, (VOCAB, DIM), dtype=jnp.float32) * 0.02
    charge_table = jax.random.normal(k4, (MAX_CHARGE, DIM), dtype=jnp.float32) * 0.02
    return {"tokens": tokens, "charges": charges, "aa_table": aa_table, "charge_table": charge_table}


def reference(tokens, charges, aa_table, charge_table):
    # aa_encoder: nn.Embedding(VOCAB, DIM, padding_idx=-1) -> last row behaves as padding (zeroed)
    table = aa_table.at[VOCAB - 1].set(0.0)
    x = jnp.take(table, tokens, axis=0)            # [B, L, DIM] embedding gather
    pe = _positional_encoding(L, DIM)
    x = x + pe[None, :, :]                          # pos_encoder
    c = jnp.take(charge_table, charges, axis=0)     # [B, DIM] charge_encoder gather
    out = jnp.concatenate([c[:, None, :], x], axis=1)  # [B, L+1, DIM]
    return out

if __name__ == "__main__":
    import jax
    _d = setup_inputs()
    print(jax.jit(kernel)(*tuple(_d.values())))

</pallas_src>

<mosaic_0001>
#map = affine_map<(d0, d1) -> (0, 0)>
#map1 = affine_map<(d0, d1) -> (0, 0, 0)>
module attributes {stable_mosaic.version = 14 : i64} {
  func.func @_gather_body(%arg0: i32, %arg1: i32, %arg2: memref<1616x512xf32, #tpu.memory_space<hbm>>, %arg3: memref<32x68x96xi32, #tpu.memory_space<hbm>>, %arg4: memref<208896x512xf32, #tpu.memory_space<hbm>>, %arg5: memref<68x96xi32, #tpu.memory_space<vmem>>, %arg6: memref<96x512xf32, #tpu.memory_space<vmem>>, %arg7: memref<96x512xf32, #tpu.memory_space<vmem>>, %arg8: memref<!tpu.dma_semaphore, #tpu.memory_space<semaphore_mem>>, %arg9: memref<!tpu.dma_semaphore, #tpu.memory_space<semaphore_mem>>, %arg10: memref<!tpu.dma_semaphore, #tpu.memory_space<semaphore_mem>>, %arg11: memref<!tpu.dma_semaphore, #tpu.memory_space<semaphore_mem>>) attributes {dimension_semantics = [#tpu.dimension_semantics<core_parallel>, #tpu.dimension_semantics<subcore_parallel>], iteration_bounds = array<i64: 2, 16>, scalar_prefetch = 0 : i64, scratch_operands = 7 : i64, tpu.core_type = #tpu.core_type<sc_vector_subcore>, window_params = [{transform_indices = #map}, {transform_indices = #map1}, {transform_indices = #map}]} {
    %mul3A = arith.constant 2 : i32
    %mul3A_0 = arith.muli %arg1, %mul3A : i32
    %add3A = arith.addi %mul3A_0, %arg0 : i32
    %mul3A_1 = arith.constant 68 : i32
    %mul3A_2 = arith.muli %add3A, %mul3A_1 : i32
    "tpu.region"() ({
      %run_scoped3A = tpu.sem_alloc : memref<!tpu.dma_semaphore, #tpu.memory_space<semaphore_mem>>
      %dma_start3A_114 = arith.constant 0 : i32
      %dma_start3A_115 = arith.constant 0 : i32
      %dma_start3A_116 = tpu.memref_slice %arg3[%add3A, %dma_start3A_114, %dma_start3A_115] : memref<32x68x96xi32, #tpu.memory_space<hbm>> -> memref<1x68x96xi32, #tpu.memory_space<hbm>>
      %dma_start3A_117 = tpu.memref_squeeze %dma_start3A_116 : memref<1x68x96xi32, #tpu.memory_space<hbm>> -> memref<68x96xi32, #tpu.memory_space<hbm>>
      %dma_start3A_118 = arith.constant 0 : i32
      %dma_start3A_119 = arith.constant 0 : i32
      %dma_start3A_120 = tpu.memref_slice %arg3[%add3A, %dma_start3A_118, %dma_start3A_119] : memref<32x68x96xi32, #tpu.memory_space<hbm>> -> memref<1x68x96xi32, #tpu.memory_space<hbm>>
      %dma_start3A_121 = tpu.memref_squeeze %dma_start3A_120 : memref<1x68x96xi32, #tpu.memory_space<hbm>> -> memref<68x96xi32, #tpu.memory_space<hbm>>
      tpu.enqueue_dma source(%dma_start3A_121 : memref<68x96xi32, #tpu.memory_space<hbm>>) target(%arg5 : memref<68x96xi32, #tpu.memory_space<vmem>>) target_semaphore(%run_scoped3A : memref<!tpu.dma_semaphore, #tpu.memory_space<semaphore_mem>>)
      %dma_wait3A_122 = arith.constant 0 : i32
      %dma_wait3A_123 = arith.constant 0 : i32
      %dma_wait3A_124 = tpu.memref_slice %arg3[%add3A, %dma_wait3A_122, %dma_wait3A_123] : memref<32x68x96xi32, #tpu.memory_space<hbm>> -> memref<1x68x96xi32, #tpu.memory_space<hbm>>
      %dma_wait3A_125 = tpu.memref_squeeze %dma_wait3A_124 : memref<1x68x96xi32, #tpu.memory_space<hbm>> -> memref<68x96xi32, #tpu.memory_space<hbm>>
      %dma_wait3A_126 = arith.constant 0 : i32
      %dma_wait3A_127 = arith.constant 0 : i32
      %dma_wait3A_128 = tpu.memref_slice %arg3[%add3A, %dma_wait3A_126, %dma_wait3A_127] : memref<32x68x96xi32, #tpu.memory_space<hbm>> -> memref<1x68x96xi32, #tpu.memory_space<hbm>>
      %dma_wait3A_129 = tpu.memref_squeeze %dma_wait3A_128 : memref<1x68x96xi32, #tpu.memory_space<hbm>> -> memref<68x96xi32, #tpu.memory_space<hbm>>
      tpu.wait_dma2 semaphore(%run_scoped3A : memref<!tpu.dma_semaphore, #tpu.memory_space<semaphore_mem>>) src(%dma_wait3A_129 : memref<68x96xi32, #tpu.memory_space<hbm>>) dst(%arg5 : memref<68x96xi32, #tpu.memory_space<vmem>>)
      tpu.yield
    }) : () -> ()
    %dma_start3A = arith.constant 0 : i32
    %dma_start3A_3 = arith.constant 0 : i32
    %dma_start3A_4 = tpu.memref_slice %arg5[%dma_start3A, %dma_start3A_3] : memref<68x96xi32, #tpu.memory_space<vmem>> -> memref<1x96xi32, #tpu.memory_space<vmem>>
    %dma_start3A_5 = tpu.memref_squeeze %dma_start3A_4 : memref<1x96xi32, #tpu.memory_space<vmem>> -> memref<96xi32, #tpu.memory_space<vmem>>
    %dma_start3A_6 = arith.constant 0 : i32
    %dma_start3A_7 = arith.constant 0 : i32
    %dma_start3A_8 = tpu.memref_slice %arg2[%dma_start3A_6, %dma_start3A_7] : memref<1616x512xf32, #tpu.memory_space<hbm>> -> memref<1616x512xf32, #tpu.memory_space<hbm>>
    tpu.enqueue_indirect_dma source(%dma_start3A_8 : memref<1616x512xf32, #tpu.memory_space<hbm>>) target(%arg6 : memref<96x512xf32, #tpu.memory_space<vmem>>) offsets(%dma_start3A_5 : memref<96xi32, #tpu.memory_space<vmem>>) semaphore(%arg8 : memref<!tpu.dma_semaphore, #tpu.memory_space<semaphore_mem>>)
    %dma_wait3A = arith.constant 0 : i32
    %dma_wait3A_9 = arith.constant 0 : i32
    %dma_wait3A_10 = tpu.memref_slice %arg2[%dma_wait3A, %dma_wait3A_9] : memref<1616x512xf32, #tpu.memory_space<hbm>> -> memref<96x512xf32, #tpu.memory_space<hbm>>
    %dma_wait3A_11 = arith.constant 0 : i32
    %dma_wait3A_12 = arith.constant 0 : i32
    %dma_wait3A_13 = tpu.memref_slice %arg2[%dma_wait3A_11, %dma_wait3A_12] : memref<1616x512xf32, #tpu.memory_space<hbm>> -> memref<96x512xf32, #tpu.memory_space<hbm>>
    tpu.wait_dma2 semaphore(%arg8 : memref<!tpu.dma_semaphore, #tpu.memory_space<semaphore_mem>>) src(%dma_wait3A_13 : memref<96x512xf32, #tpu.memory_space<hbm>>) dst(%arg6 : memref<96x512xf32, #tpu.memory_space<vmem>>)
    %add3A_14 = arith.constant 0 : i32
    %add3A_15 = arith.addi %mul3A_2, %add3A_14 : i32
    %mul3A_16 = arith.constant 96 : i32
    %mul3A_17 = arith.muli %add3A_15, %mul3A_16 : i32
    %dma_start3A_18 = arith.constant 0 : i32
    %dma_start3A_19 = tpu.memref_slice %arg4[%mul3A_17, %dma_start3A_18] : memref<208896x512xf32, #tpu.memory_space<hbm>> -> memref<96x512xf32, #tpu.memory_space<hbm>>
    %dma_start3A_20 = arith.constant 0 : i32
    %dma_start3A_21 = tpu.memref_slice %arg4[%mul3A_17, %dma_start3A_20] : memref<208896x512xf32, #tpu.memory_space<hbm>> -> memref<96x512xf32, #tpu.memory_space<hbm>>
    tpu.enqueue_dma source(%arg6 : memref<96x512xf32, #tpu.memory_space<vmem>>) target(%dma_start3A_21 : memref<96x512xf32, #tpu.memory_space<hbm>>) target_semaphore(%arg10 : memref<!tpu.dma_semaphore, #tpu.memory_space<semaphore_mem>>)
    %dma_start3A_22 = arith.constant 1 : i32
    %dma_start3A_23 = arith.constant 0 : i32
    %dma_start3A_24 = tpu.memref_slice %arg5[%dma_start3A_22, %dma_start3A_23] : memref<68x96xi32, #tpu.memory_space<vmem>> -> memref<1x96xi32, #tpu.memory_space<vmem>>
    %dma_start3A_25 = tpu.memref_squeeze %dma_start3A_24 : memref<1x96xi32, #tpu.memory_space<vmem>> -> memref<96xi32, #tpu.memory_space<vmem>>
    %dma_start3A_26 = arith.constant 0 : i32
    %dma_start3A_27 = arith.constant 0 : i32
    %dma_start3A_28 = tpu.memref_slice %arg2[%dma_start3A_26, %dma_start3A_27] : memref<1616x512xf32, #tpu.memory_space<hbm>> -> memref<1616x512xf32, #tpu.memory_space<hbm>>
    tpu.enqueue_indirect_dma source(%dma_start3A_28 : memref<1616x512xf32, #tpu.memory_space<hbm>>) target(%arg7 : memref<96x512xf32, #tpu.memory_space<vmem>>) offsets(%dma_start3A_25 : memref<96xi32, #tpu.memory_space<vmem>>) semaphore(%arg9 : memref<!tpu.dma_semaphore, #tpu.memory_space<semaphore_mem>>)
    %scan3A = arith.constant 0 : i32
    %scan3A_29 = arith.constant 0 : i32
    %scan3A_30 = arith.constant 32 : i32
    %scan3A_31 = arith.addi %scan3A_29, %scan3A_30 : i32
    %scan3A_32 = arith.constant 1 : i32
    scf.for %scan3A_114 = %scan3A_29 to %scan3A_31 step %scan3A_32  : i32 {
      %mul3A_115 = arith.constant 2 : i32
      %mul3A_116 = arith.muli %mul3A_115, %scan3A_114 : i32
      %add3A_117 = arith.constant 1 : i32
      %add3A_118 = arith.addi %mul3A_116, %add3A_117 : i32
      %add3A_119 = arith.constant 0 : i32
      %add3A_120 = arith.addi %add3A_118, %add3A_119 : i32
      %dma_wait3A_121 = arith.constant 0 : i32
      %dma_wait3A_122 = arith.constant 0 : i32
      %dma_wait3A_123 = tpu.memref_slice %arg2[%dma_wait3A_121, %dma_wait3A_122] : memref<1616x512xf32, #tpu.memory_space<hbm>> -> memref<96x512xf32, #tpu.memory_space<hbm>>
      %dma_wait3A_124 = arith.constant 0 : i32
      %dma_wait3A_125 = arith.constant 0 : i32
      %dma_wait3A_126 = tpu.memref_slice %arg2[%dma_wait3A_124, %dma_wait3A_125] : memref<1616x512xf32, #tpu.memory_space<hbm>> -> memref<96x512xf32, #tpu.memory_space<hbm>>
      tpu.wait_dma2 semaphore(%arg9 : memref<!tpu.dma_semaphore, #tpu.memory_space<semaphore_mem>>) src(%dma_wait3A_126 : memref<96x512xf32, #tpu.memory_space<hbm>>) dst(%arg7 : memref<96x512xf32, #tpu.memory_space<vmem>>)
      %add3A_127 = arith.addi %mul3A_2, %add3A_120 : i32
      %mul3A_128 = arith.constant 96 : i32
      %mul3A_129 = arith.muli %add3A_127, %mul3A_128 : i32
      %dma_start3A_130 = arith.constant 0 : i32
      %dma_start3A_131 = tpu.memref_slice %arg4[%mul3A_129, %dma_start3A_130] : memref<208896x512xf32, #tpu.memory_space<hbm>> -> memref<96x512xf32, #tpu.memory_space<hbm>>
      %dma_start3A_132 = arith.constant 0 : i32
      %dma_start3A_133 = tpu.memref_slice %arg4[%mul3A_129, %dma_start3A_132] : memref<208896x512xf32, #tpu.memory_space<hbm>> -> memref<96x512xf32, #tpu.memory_space<hbm>>
      tpu.enqueue_dma source(%arg7 : memref<96x512xf32, #tpu.memory_space<vmem>>) target(%dma_start3A_133 : memref<96x512xf32, #tpu.memory_space<hbm>>) target_semaphore(%arg11 : memref<!tpu.dma_semaphore, #tpu.memory_space<semaphore_mem>>)
      %dma_wait3A_134 = arith.constant 0 : i32
      %dma_wait3A_135 = arith.constant 0 : i32
      %dma_wait3A_136 = tpu.memref_slice %arg4[%dma_wait3A_134, %dma_wait3A_135] : memref<208896x512xf32, #tpu.memory_space<hbm>> -> memref<96x512xf32, #tpu.memory_space<hbm>>
      %dma_wait3A_137 = arith.constant 0 : i32
      %dma_wait3A_138 = arith.constant 0 : i32
      %dma_wait3A_139 = tpu.memref_slice %arg4[%dma_wait3A_137, %dma_wait3A_138] : memref<208896x512xf32, #tpu.memory_space<hbm>> -> memref<96x512xf32, #tpu.memory_space<hbm>>
      tpu.wait_dma2 semaphore(%arg10 : memref<!tpu.dma_semaphore, #tpu.memory_space<semaphore_mem>>) src(%arg6 : memref<96x512xf32, #tpu.memory_space<vmem>>) dst(%dma_wait3A_139 : memref<96x512xf32, #tpu.memory_space<hbm>>)
      %add3A_140 = arith.constant 1 : i32
      %add3A_141 = arith.addi %add3A_120, %add3A_140 : i32
      %dma_start3A_142 = arith.constant 0 : i32
      %dma_start3A_143 = tpu.memref_slice %arg5[%add3A_141, %dma_start3A_142] : memref<68x96xi32, #tpu.memory_space<vmem>> -> memref<1x96xi32, #tpu.memory_space<vmem>>
      %dma_start3A_144 = tpu.memref_squeeze %dma_start3A_143 : memref<1x96xi32, #tpu.memory_space<vmem>> -> memref<96xi32, #tpu.memory_space<vmem>>
      %dma_start3A_145 = arith.constant 0 : i32
      %dma_start3A_146 = arith.constant 0 : i32
      %dma_start3A_147 = tpu.memref_slice %arg2[%dma_start3A_145, %dma_start3A_146] : memref<1616x512xf32, #tpu.memory_space<hbm>> -> memref<1616x512xf32, #tpu.memory_space<hbm>>
      tpu.enqueue_indirect_dma source(%dma_start3A_147 : memref<1616x512xf32, #tpu.memory_space<hbm>>) target(%arg6 : memref<96x512xf32, #tpu.memory_space<vmem>>) offsets(%dma_start3A_144 : memref<96xi32, #tpu.memory_space<vmem>>) semaphore(%arg8 : memref<!tpu.dma_semaphore, #tpu.memory_space<semaphore_mem>>)
      %mul3A_148 = arith.constant 2 : i32
      %mul3A_149 = arith.muli %mul3A_148, %scan3A_114 : i32
      %add3A_150 = arith.constant 1 : i32
      %add3A_151 = arith.addi %mul3A_149, %add3A_150 : i32
      %add3A_152 = arith.constant 1 : i32
      %add3A_153 = arith.addi %add3A_151, %add3A_152 : i32
      %dma_wait3A_154 = arith.constant 0 : i32
      %dma_wait3A_155 = arith.constant 0 : i32
      %dma_wait3A_156 = tpu.memref_slice %arg2[%dma_wait3A_154, %dma_wait3A_155] : memref<1616x512xf32, #tpu.memory_space<hbm>> -> memref<96x512xf32, #tpu.memory_space<hbm>>
      %dma_wait3A_157 = arith.constant 0 : i32
      %dma_wait3A_158 = arith.constant 0 : i32
      %dma_wait3A_159 = tpu.memref_slice %arg2[%dma_wait3A_157, %dma_wait3A_158] : memref<1616x512xf32, #tpu.memory_space<hbm>> -> memref<96x512xf32, #tpu.memory_space<hbm>>
      tpu.wait_dma2 semaphore(%arg8 : memref<!tpu.dma_semaphore, #tpu.memory_space<semaphore_mem>>) src(%dma_wait3A_159 : memref<96x512xf32, #tpu.memory_space<hbm>>) dst(%arg6 : memref<96x512xf32, #tpu.memory_space<vmem>>)
      %add3A_160 = arith.addi %mul3A_2, %add3A_153 : i32
      %mul3A_161 = arith.constant 96 : i32
      %mul3A_162 = arith.muli %add3A_160, %mul3A_161 : i32
      %dma_start3A_163 = arith.constant 0 : i32
      %dma_start3A_164 = tpu.memref_slice %arg4[%mul3A_162, %dma_start3A_163] : memref<208896x512xf32, #tpu.memory_space<hbm>> -> memref<96x512xf32, #tpu.memory_space<hbm>>
      %dma_start3A_165 = arith.constant 0 : i32
      %dma_start3A_166 = tpu.memref_slice %arg4[%mul3A_162, %dma_start3A_165] : memref<208896x512xf32, #tpu.memory_space<hbm>> -> memref<96x512xf32, #tpu.memory_space<hbm>>
      tpu.enqueue_dma source(%arg6 : memref<96x512xf32, #tpu.memory_space<vmem>>) target(%dma_start3A_166 : memref<96x512xf32, #tpu.memory_space<hbm>>) target_semaphore(%arg10 : memref<!tpu.dma_semaphore, #tpu.memory_space<semaphore_mem>>)
      %dma_wait3A_167 = arith.constant 0 : i32
      %dma_wait3A_168 = arith.constant 0 : i32
      %dma_wait3A_169 = tpu.memref_slice %arg4[%dma_wait3A_167, %dma_wait3A_168] : memref<208896x512xf32, #tpu.memory_space<hbm>> -> memref<96x512xf32, #tpu.memory_space<hbm>>
      %dma_wait3A_170 = arith.constant 0 : i32
      %dma_wait3A_171 = arith.constant 0 : i32
      %dma_wait3A_172 = tpu.memref_slice %arg4[%dma_wait3A_170, %dma_wait3A_171] : memref<208896x512xf32, #tpu.memory_space<hbm>> -> memref<96x512xf32, #tpu.memory_space<hbm>>
      tpu.wait_dma2 semaphore(%arg11 : memref<!tpu.dma_semaphore, #tpu.memory_space<semaphore_mem>>) src(%arg7 : memref<96x512xf32, #tpu.memory_space<vmem>>) dst(%dma_wait3A_172 : memref<96x512xf32, #tpu.memory_space<hbm>>)
      %add3A_173 = arith.constant 1 : i32
      %add3A_174 = arith.addi %add3A_153, %add3A_173 : i32
      %dma_start3A_175 = arith.constant 0 : i32
      %dma_start3A_176 = tpu.memref_slice %arg5[%add3A_174, %dma_start3A_175] : memref<68x96xi32, #tpu.memory_space<vmem>> -> memref<1x96xi32, #tpu.memory_space<vmem>>
      %dma_start3A_177 = tpu.memref_squeeze %dma_start3A_176 : memref<1x96xi32, #tpu.memory_space<vmem>> -> memref<96xi32, #tpu.memory_space<vmem>>
      %dma_start3A_178 = arith.constant 0 : i32
      %dma_start3A_179 = arith.constant 0 : i32
      %dma_start3A_180 = tpu.memref_slice %arg2[%dma_start3A_178, %dma_start3A_179] : memref<1616x512xf32, #tpu.memory_space<hbm>> -> memref<1616x512xf32, #tpu.memory_space<hbm>>
      tpu.enqueue_indirect_dma source(%dma_start3A_180 : memref<1616x512xf32, #tpu.memory_space<hbm>>) target(%arg7 : memref<96x512xf32, #tpu.memory_space<vmem>>) offsets(%dma_start3A_177 : memref<96xi32, #tpu.memory_space<vmem>>) semaphore(%arg9 : memref<!tpu.dma_semaphore, #tpu.memory_space<semaphore_mem>>)
    }
    %scan3A_33 = arith.constant 32 : i32
    %dma_wait3A_34 = arith.constant 0 : i32
    %dma_wait3A_35 = arith.constant 0 : i32
    %dma_wait3A_36 = tpu.memref_slice %arg2[%dma_wait3A_34, %dma_wait3A_35] : memref<1616x512xf32, #tpu.memory_space<hbm>> -> memref<96x512xf32, #tpu.memory_space<hbm>>
    %dma_wait3A_37 = arith.constant 0 : i32
    %dma_wait3A_38 = arith.constant 0 : i32
    %dma_wait3A_39 = tpu.memref_slice %arg2[%dma_wait3A_37, %dma_wait3A_38] : memref<1616x512xf32, #tpu.memory_space<hbm>> -> memref<96x512xf32, #tpu.memory_space<hbm>>
    tpu.wait_dma2 semaphore(%arg9 : memref<!tpu.dma_semaphore, #tpu.memory_space<semaphore_mem>>) src(%dma_wait3A_39 : memref<96x512xf32, #tpu.memory_space<hbm>>) dst(%arg7 : memref<96x512xf32, #tpu.memory_space<vmem>>)
    %add3A_40 = arith.constant 65 : i32
    %add3A_41 = arith.addi %mul3A_2, %add3A_40 : i32
    %mul3A_42 = arith.constant 96 : i32
    %mul3A_43 = arith.muli %add3A_41, %mul3A_42 : i32
    %dma_start3A_44 = arith.constant 0 : i32
    %dma_start3A_45 = tpu.memref_slice %arg4[%mul3A_43, %dma_start3A_44] : memref<208896x512xf32, #tpu.memory_space<hbm>> -> memref<96x512xf32, #tpu.memory_space<hbm>>
    %dma_start3A_46 = arith.constant 0 : i32
    %dma_start3A_47 = tpu.memref_slice %arg4[%mul3A_43, %dma_start3A_46] : memref<208896x512xf32, #tpu.memory_space<hbm>> -> memref<96x512xf32, #tpu.memory_space<hbm>>
    tpu.enqueue_dma source(%arg7 : memref<96x512xf32, #tpu.memory_space<vmem>>) target(%dma_start3A_47 : memref<96x512xf32, #tpu.memory_space<hbm>>) target_semaphore(%arg11 : memref<!tpu.dma_semaphore, #tpu.memory_space<semaphore_mem>>)
    %dma_wait3A_48 = arith.constant 0 : i32
    %dma_wait3A_49 = arith.constant 0 : i32
    %dma_wait3A_50 = tpu.memref_slice %arg4[%dma_wait3A_48, %dma_wait3A_49] : memref<208896x512xf32, #tpu.memory_space<hbm>> -> memref<96x512xf32, #tpu.memory_space<hbm>>
    %dma_wait3A_51 = arith.constant 0 : i32
    %dma_wait3A_52 = arith.constant 0 : i32
    %dma_wait3A_53 = tpu.memref_slice %arg4[%dma_wait3A_51, %dma_wait3A_52] : memref<208896x512xf32, #tpu.memory_space<hbm>> -> memref<96x512xf32, #tpu.memory_space<hbm>>
    tpu.wait_dma2 semaphore(%arg10 : memref<!tpu.dma_semaphore, #tpu.memory_space<semaphore_mem>>) src(%arg6 : memref<96x512xf32, #tpu.memory_space<vmem>>) dst(%dma_wait3A_53 : memref<96x512xf32, #tpu.memory_space<hbm>>)
    %dma_start3A_54 = arith.constant 66 : i32
    %dma_start3A_55 = arith.constant 0 : i32
    %dma_start3A_56 = tpu.memref_slice %arg5[%dma_start3A_54, %dma_start3A_55] : memref<68x96xi32, #tpu.memory_space<vmem>> -> memref<1x96xi32, #tpu.memory_space<vmem>>
    %dma_start3A_57 = tpu.memref_squeeze %dma_start3A_56 : memref<1x96xi32, #tpu.memory_space<vmem>> -> memref<96xi32, #tpu.memory_space<vmem>>
    %dma_start3A_58 = arith.constant 0 : i32
    %dma_start3A_59 = arith.constant 0 : i32
    %dma_start3A_60 = tpu.memref_slice %arg2[%dma_start3A_58, %dma_start3A_59] : memref<1616x512xf32, #tpu.memory_space<hbm>> -> memref<1616x512xf32, #tpu.memory_space<hbm>>
    tpu.enqueue_indirect_dma source(%dma_start3A_60 : memref<1616x512xf32, #tpu.memory_space<hbm>>) target(%arg6 : memref<96x512xf32, #tpu.memory_space<vmem>>) offsets(%dma_start3A_57 : memref<96xi32, #tpu.memory_space<vmem>>) semaphore(%arg8 : memref<!tpu.dma_semaphore, #tpu.memory_space<semaphore_mem>>)
    %dma_wait3A_61 = arith.constant 0 : i32
    %dma_wait3A_62 = arith.constant 0 : i32
    %dma_wait3A_63 = tpu.memref_slice %arg2[%dma_wait3A_61, %dma_wait3A_62] : memref<1616x512xf32, #tpu.memory_space<hbm>> -> memref<96x512xf32, #tpu.memory_space<hbm>>
    %dma_wait3A_64 = arith.constant 0 : i32
    %dma_wait3A_65 = arith.constant 0 : i32
    %dma_wait3A_66 = tpu.memref_slice %arg2[%dma_wait3A_64, %dma_wait3A_65] : memref<1616x512xf32, #tpu.memory_space<hbm>> -> memref<96x512xf32, #tpu.memory_space<hbm>>
    tpu.wait_dma2 semaphore(%arg8 : memref<!tpu.dma_semaphore, #tpu.memory_space<semaphore_mem>>) src(%dma_wait3A_66 : memref<96x512xf32, #tpu.memory_space<hbm>>) dst(%arg6 : memref<96x512xf32, #tpu.memory_space<vmem>>)
    %add3A_67 = arith.constant 66 : i32
    %add3A_68 = arith.addi %mul3A_2, %add3A_67 : i32
    %mul3A_69 = arith.constant 96 : i32
    %mul3A_70 = arith.muli %add3A_68, %mul3A_69 : i32
    %dma_start3A_71 = arith.constant 0 : i32
    %dma_start3A_72 = tpu.memref_slice %arg4[%mul3A_70, %dma_start3A_71] : memref<208896x512xf32, #tpu.memory_space<hbm>> -> memref<96x512xf32, #tpu.memory_space<hbm>>
    %dma_start3A_73 = arith.constant 0 : i32
    %dma_start3A_74 = tpu.memref_slice %arg4[%mul3A_70, %dma_start3A_73] : memref<208896x512xf32, #tpu.memory_space<hbm>> -> memref<96x512xf32, #tpu.memory_space<hbm>>
    tpu.enqueue_dma source(%arg6 : memref<96x512xf32, #tpu.memory_space<vmem>>) target(%dma_start3A_74 : memref<96x512xf32, #tpu.memory_space<hbm>>) target_semaphore(%arg10 : memref<!tpu.dma_semaphore, #tpu.memory_space<semaphore_mem>>)
    %dma_wait3A_75 = arith.constant 0 : i32
    %dma_wait3A_76 = arith.constant 0 : i32
    %dma_wait3A_77 = tpu.memref_slice %arg4[%dma_wait3A_75, %dma_wait3A_76] : memref<208896x512xf32, #tpu.memory_space<hbm>> -> memref<96x512xf32, #tpu.memory_space<hbm>>
    %dma_wait3A_78 = arith.constant 0 : i32
    %dma_wait3A_79 = arith.constant 0 : i32
    %dma_wait3A_80 = tpu.memref_slice %arg4[%dma_wait3A_78, %dma_wait3A_79] : memref<208896x512xf32, #tpu.memory_space<hbm>> -> memref<96x512xf32, #tpu.memory_space<hbm>>
    tpu.wait_dma2 semaphore(%arg11 : memref<!tpu.dma_semaphore, #tpu.memory_space<semaphore_mem>>) src(%arg7 : memref<96x512xf32, #tpu.memory_space<vmem>>) dst(%dma_wait3A_80 : memref<96x512xf32, #tpu.memory_space<hbm>>)
    %dma_start3A_81 = arith.constant 67 : i32
    %dma_start3A_82 = arith.constant 0 : i32
    %dma_start3A_83 = tpu.memref_slice %arg5[%dma_start3A_81, %dma_start3A_82] : memref<68x96xi32, #tpu.memory_space<vmem>> -> memref<1x96xi32, #tpu.memory_space<vmem>>
    %dma_start3A_84 = tpu.memref_squeeze %dma_start3A_83 : memref<1x96xi32, #tpu.memory_space<vmem>> -> memref<96xi32, #tpu.memory_space<vmem>>
    %dma_start3A_85 = arith.constant 0 : i32
    %dma_start3A_86 = arith.constant 0 : i32
    %dma_start3A_87 = tpu.memref_slice %arg2[%dma_start3A_85, %dma_start3A_86] : memref<1616x512xf32, #tpu.memory_space<hbm>> -> memref<1616x512xf32, #tpu.memory_space<hbm>>
    tpu.enqueue_indirect_dma source(%dma_start3A_87 : memref<1616x512xf32, #tpu.memory_space<hbm>>) target(%arg7 : memref<96x512xf32, #tpu.memory_space<vmem>>) offsets(%dma_start3A_84 : memref<96xi32, #tpu.memory_space<vmem>>) semaphore(%arg9 : memref<!tpu.dma_semaphore, #tpu.memory_space<semaphore_mem>>)
    %dma_wait3A_88 = arith.constant 0 : i32
    %dma_wait3A_89 = arith.constant 0 : i32
    %dma_wait3A_90 = tpu.memref_slice %arg2[%dma_wait3A_88, %dma_wait3A_89] : memref<1616x512xf32, #tpu.memory_space<hbm>> -> memref<96x512xf32, #tpu.memory_space<hbm>>
    %dma_wait3A_91 = arith.constant 0 : i32
    %dma_wait3A_92 = arith.constant 0 : i32
    %dma_wait3A_93 = tpu.memref_slice %arg2[%dma_wait3A_91, %dma_wait3A_92] : memref<1616x512xf32, #tpu.memory_space<hbm>> -> memref<96x512xf32, #tpu.memory_space<hbm>>
    tpu.wait_dma2 semaphore(%arg9 : memref<!tpu.dma_semaphore, #tpu.memory_space<semaphore_mem>>) src(%dma_wait3A_93 : memref<96x512xf32, #tpu.memory_space<hbm>>) dst(%arg7 : memref<96x512xf32, #tpu.memory_space<vmem>>)
    %add3A_94 = arith.constant 67 : i32
    %add3A_95 = arith.addi %mul3A_2, %add3A_94 : i32
    %mul3A_96 = arith.constant 96 : i32
    %mul3A_97 = arith.muli %add3A_95, %mul3A_96 : i32
    %dma_start3A_98 = arith.constant 0 : i32
    %dma_start3A_99 = tpu.memref_slice %arg4[%mul3A_97, %dma_start3A_98] : memref<208896x512xf32, #tpu.memory_space<hbm>> -> memref<96x512xf32, #tpu.memory_space<hbm>>
    %dma_start3A_100 = arith.constant 0 : i32
    %dma_start3A_101 = tpu.memref_slice %arg4[%mul3A_97, %dma_start3A_100] : memref<208896x512xf32, #tpu.memory_space<hbm>> -> memref<96x512xf32, #tpu.memory_space<hbm>>
    tpu.enqueue_dma source(%arg7 : memref<96x512xf32, #tpu.memory_space<vmem>>) target(%dma_start3A_101 : memref<96x512xf32, #tpu.memory_space<hbm>>) target_semaphore(%arg11 : memref<!tpu.dma_semaphore, #tpu.memory_space<semaphore_mem>>)
    %dma_wait3A_102 = arith.constant 0 : i32
    %dma_wait3A_103 = arith.constant 0 : i32
    %dma_wait3A_104 = tpu.memref_slice %arg4[%dma_wait3A_102, %dma_wait3A_103] : memref<208896x512xf32, #tpu.memory_space<hbm>> -> memref<96x512xf32, #tpu.memory_space<hbm>>
    %dma_wait3A_105 = arith.constant 0 : i32
    %dma_wait3A_106 = arith.constant 0 : i32
    %dma_wait3A_107 = tpu.memref_slice %arg4[%dma_wait3A_105, %dma_wait3A_106] : memref<208896x512xf32, #tpu.memory_space<hbm>> -> memref<96x512xf32, #tpu.memory_space<hbm>>
    tpu.wait_dma2 semaphore(%arg10 : memref<!tpu.dma_semaphore, #tpu.memory_space<semaphore_mem>>) src(%arg6 : memref<96x512xf32, #tpu.memory_space<vmem>>) dst(%dma_wait3A_107 : memref<96x512xf32, #tpu.memory_space<hbm>>)
    %dma_wait3A_108 = arith.constant 0 : i32
    %dma_wait3A_109 = arith.constant 0 : i32
    %dma_wait3A_110 = tpu.memref_slice %arg4[%dma_wait3A_108, %dma_wait3A_109] : memref<208896x512xf32, #tpu.memory_space<hbm>> -> memref<96x512xf32, #tpu.memory_space<hbm>>
    %dma_wait3A_111 = arith.constant 0 : i32
    %dma_wait3A_112 = arith.constant 0 : i32
    %dma_wait3A_113 = tpu.memref_slice %arg4[%dma_wait3A_111, %dma_wait3A_112] : memref<208896x512xf32, #tpu.memory_space<hbm>> -> memref<96x512xf32, #tpu.memory_space<hbm>>
    tpu.wait_dma2 semaphore(%arg11 : memref<!tpu.dma_semaphore, #tpu.memory_space<semaphore_mem>>) src(%arg7 : memref<96x512xf32, #tpu.memory_space<vmem>>) dst(%dma_wait3A_113 : memref<96x512xf32, #tpu.memory_space<hbm>>)
    return
  }
}

module attributes {stable_mosaic.version = 14 : i64} {
  func.func @_prep_body(%arg0: memref<50x512xf32, #tpu.memory_space<vmem>>, %arg1: memref<28x512xf32, #tpu.memory_space<vmem>>, %arg2: memref<10x512xf32, #tpu.memory_space<vmem>>, %arg3: memref<50x4096xi32, #tpu.memory_space<vmem>>, %arg4: memref<1x4096xi32, #tpu.memory_space<vmem>>, %arg5: memref<50x32x512xf32, #tpu.memory_space<vmem>>, %arg6: memref<16x512xf32, #tpu.memory_space<vmem>>, %arg7: memref<51x4096xi32, #tpu.memory_space<vmem>>) attributes {dimension_semantics = [], scalar_prefetch = 0 : i64, scratch_operands = 0 : i64, tpu.core_type = #tpu.core_type<tc>} {
    %get3A = arith.constant 0 : index
    %get3A_0 = arith.constant 0 : index
    %get3A_1 = vector.load %arg1[%get3A, %get3A_0] : memref<28x512xf32, #tpu.memory_space<vmem>>, vector<28x512xf32>
    %iota3A = tpu.iota {dimensions = array<i32: 0>} : vector<28x512xi32>
    %eq3A = arith.constant 27 : i32
    %eq3A_2 = vector.broadcast %eq3A : i32 to vector<28x512xi32>
    %eq3A_3 = arith.cmpi eq, %iota3A, %eq3A_2 : vector<28x512xi32>
    %jit3A = arith.constant 0.000000e+00 : f32
    %broadcast_in_dim3A = vector.broadcast %jit3A : f32 to vector<28x512xf32>
    %select_n3A = arith.select %eq3A_3, %broadcast_in_dim3A, %get3A_1 : vector<28x512xi1>, vector<28x512xf32>
    %broadcast_in_dim3A_4 = arith.constant 0.000000e+00 : f32
    %broadcast_in_dim3A_5 = vector.broadcast %broadcast_in_dim3A_4 : f32 to vector<4x512xf32>
    %concatenate3A = tpu.concatenate %select_n3A, %broadcast_in_dim3A_5 in 0 : vector<28x512xf32>, vector<4x512xf32> -> vector<32x512xf32>
    %get3A_6 = arith.constant 0 : index
    %get3A_7 = arith.constant 0 : index
    %get3A_8 = vector.load %arg0[%get3A_6, %get3A_7] : memref<50x512xf32, #tpu.memory_space<vmem>>, vector<50x512xf32>
    %broadcast_in_dim3A_9 = vector.shape_cast %get3A_8 : vector<50x512xf32> to vector<50x1x512xf32>
    %broadcast_in_dim3A_10 = vector.shape_cast %concatenate3A : vector<32x512xf32> to vector<1x32x512xf32>
    %add3A = vector.broadcast %broadcast_in_dim3A_9 : vector<50x1x512xf32> to vector<50x32x512xf32>
    %add3A_11 = vector.broadcast %broadcast_in_dim3A_10 : vector<1x32x512xf32> to vector<50x32x512xf32>
    %add3A_12 = arith.addf %add3A, %add3A_11 : vector<50x32x512xf32>
    %swap3A = arith.constant 0 : index
    %swap3A_13 = arith.constant 0 : index
    %swap3A_14 = arith.constant 0 : index
    %swap3A_15 = vector.load %arg5[%swap3A, %swap3A_13, %swap3A_14] : memref<50x32x512xf32, #tpu.memory_space<vmem>>, vector<50x32x512xf32>
    tpu.vector_store %arg5[%swap3A, %swap3A_13, %swap3A_14], %add3A_12 {strides = array<i32>} : memref<50x32x512xf32, #tpu.memory_space<vmem>>, vector<50x32x512xf32>,
    %get3A_16 = arith.constant 0 : index
    %get3A_17 = arith.constant 0 : index
    %get3A_18 = vector.load %arg2[%get3A_16, %get3A_17] : memref<10x512xf32, #tpu.memory_space<vmem>>, vector<10x512xf32>
    %broadcast_in_dim3A_19 = arith.constant 0.000000e+00 : f32
    %broadcast_in_dim3A_20 = vector.broadcast %broadcast_in_dim3A_19 : f32 to vector<6x512xf32>
    %concatenate3A_21 = tpu.concatenate %get3A_18, %broadcast_in_dim3A_20 in 0 : vector<10x512xf32>, vector<6x512xf32> -> vector<16x512xf32>
    %swap3A_22 = arith.constant 0 : index
    %swap3A_23 = arith.constant 0 : index
    %swap3A_24 = vector.load %arg6[%swap3A_22, %swap3A_23] : memref<16x512xf32, #tpu.memory_space<vmem>>, vector<16x512xf32>
    tpu.vector_store %arg6[%swap3A_22, %swap3A_23], %concatenate3A_21 {strides = array<i32>} : memref<16x512xf32, #tpu.memory_space<vmem>>, vector<16x512xf32>,
    %iota3A_25 = tpu.iota {dimensions = array<i32: 0>} : vector<50x4096xi32>
    %mul3A = arith.constant 32 : i32
    %mul3A_26 = vector.broadcast %mul3A : i32 to vector<50x4096xi32>
    %mul3A_27 = arith.muli %iota3A_25, %mul3A_26 : vector<50x4096xi32>
    %get3A_28 = arith.constant 0 : index
    %get3A_29 = arith.constant 0 : index
    %get3A_30 = vector.load %arg4[%get3A_28, %get3A_29] : memref<1x4096xi32, #tpu.memory_space<vmem>>, vector<1x4096xi32>
    %add3A_31 = arith.constant 1600 : i32
    %add3A_32 = vector.broadcast %add3A_31 : i32 to vector<1x4096xi32>
    %add3A_33 = arith.addi %get3A_30, %add3A_32 : vector<1x4096xi32>
    %get3A_34 = arith.constant 0 : index
    %get3A_35 = arith.constant 0 : index
    %get3A_36 = vector.load %arg3[%get3A_34, %get3A_35] : memref<50x4096xi32, #tpu.memory_space<vmem>>, vector<50x4096xi32>
    %add3A_37 = arith.addi %get3A_36, %mul3A_27 : vector<50x4096xi32>
    %concatenate3A_38 = tpu.concatenate %add3A_33, %add3A_37 in 0 : vector<1x4096xi32>, vector<50x4096xi32> -> vector<51x4096xi32>
    %swap3A_39 = arith.constant 0 : index
    %swap3A_40 = arith.constant 0 : index
    %swap3A_41 = vector.load %arg7[%swap3A_39, %swap3A_40] : memref<51x4096xi32, #tpu.memory_space<vmem>>, vector<51x4096xi32>
    tpu.vector_store %arg7[%swap3A_39, %swap3A_40], %concatenate3A_38 {strides = array<i32>} : memref<51x4096xi32, #tpu.memory_space<vmem>>, vector<51x4096xi32>,
    return
  }
}

</mosaic_0001>

<sc_bundles>
// kernel: kernel.4.cloned.1.call-start
scs
__scs_entry_jumppad:
0x0: {  	(pc) =	sbr.rel $0x88, $3  }
0x1: {  	(tag) =	ssettag $0x0;
	lr =	simm.s32 $0x1  }
0x2: {  	[smem:$0x3F9D] =	sst lr;
	_ =	strace $0xD0000000  }
0x3: {  	_ = 	snop  }
0x4: {  	_ = 	snop  }
0x5: {  	_ = 	snop  }
0x6: {  	_ = 	snop  }
0x7: {  	_ = 	snop  }
__scs_overlays_trampoline_lowered:
0x8: {  	[smem:$0x3FAC] =	sst s0  }
0x9: {  	[smem:$0x3FAD] =	sst s1  }
0xa: {  	[smem:$0x3FAE] =	sst s2  }
0xb: {  	[smem:$0x3FAF] =	sst s3  }
0xc: {  	[smem:$0x3FB0] =	sst s4  }
0xd: {  	[smem:$0x3FB1] =	sst s5  }
0xe: {  	[smem:$0x3FB2] =	sst s6  }
0xf: {  	[smem:$0x3FB3] =	sst s7  }
0x10: {  	[smem:$0x3FB4] =	sst s8  }
0x11: {  	[smem:$0x3FB5] =	sst s9;
	s0 =	simm.s32 @!p0 $0x0  }
0x12: {  	s1 =	sld [smem:$0x3F9B];
	s0 =	simm.s32 @p0 $0x1  }
0x13: {  	[smem:$0x3FB6] =	sst s0;
	s0 =	simm.s32 @!p1 $0x0  }
0x14: {  	s2 =	sld [smem:$0x3F9A];
	s0 =	simm.s32 @p1 $0x1  }
0x15: {  	[smem:$0x3FB7] =	sst s0;
	s0 =	simm.s32 @!p2 $0x0  }
0x16: {  	s3 =	sld [smem:$0x3FDB];
	s0 =	simm.s32 @p2 $0x1  }
0x17: {  	s4 =	simm.s32 $0x1BF5;
	[smem:$0x3FB9] =	sst s0  }
0x18: {  	s0 =	sld [smem:$0x3F9C];
	_ =	swait.ge [sflag:s4], $0x0  }
0x19: {  	s7 =	sld [smem:$0x3F9D]  }
0x1a: {  	s8 =	sadd.s32 $0xFFFFE003, lr  }
0x1b: {  	s9 =	sadd.s32 $0xFFFFFEF7, lr;
	s5 =	simm.s32 $0xFFFFFFFF;
	p2 =	slt.u32 s8, $0xFFFFF086  }
0x1c: {  	p1 =	slt.u32 s9, $0xF7A;
	s5 =	simm.s32 @!p2 $0x0  }
0x1d: {  	s5 =	simm.s32 @p1 $0x1;
	p0 =	seq.s32 s7, s2  }
0x1e: {  	s7 =	smul.u32 @!p0 $0xF7A, s2;
	p2 =	seq.s32 @!p0 s5, $0x0  }
0x1f: {  	s9 =	smul.u32 $0xF7A, s1;
	s8 =	simm.s32 @!p0 $0x1BF5;
	p2 =	por !p2, p0  }
0x20: {  	[sflag:s8] =	ssyncset.s32 @!p0 $0xFFFFF086;
	s6 =	sadd.s32 @!p0 s3, s7;
	s7 =	simm.s32 @!p0 $0x108  }
0x21: {  	s3 =	sadd.s32 s3, s9;
	s6 =	sadd.s32 @!p0 $0x88, s6;
	s7 =	simm.s32 @p2 $0x1082  }
0x22: {  	[simem:s7], [sflag:s8] =	dma.local @!p0 [hbm:s6], $0xF7A  }
0x23: {  	s9 =	sor.u32 $0xD0000000, s2;
	s6 =	simm.s32 $0x108;
	_ =	swait.ge @!p0 [sflag:s8], $0x0  }
0x24: {  	s3 =	sadd.s32 $0x88, s3;
	s6 =	simm.s32 @!p1 $0x1082;
	[sflag:s4] =	ssyncset.s32 $0xFFFFF086  }
0x25: {  	[simem:s6], [sflag:s4] =	dma.local [hbm:s3], $0xF7A  }
0x26: {  	[smem:$0x3F9D] =	sst s1;
	(tag) =	ssettag s2;
	_ =	strace s9  }
0x27: {  	s1 =	sld [smem:$0x3FAD]  }
0x28: {  	s2 =	sld [smem:$0x3FAE]  }
0x29: {  	s4 =	sld [smem:$0x3FB0]  }
0x2a: {  	p0 =	seq.s32 s5, $0x0;
	s5 =	sld [smem:$0x3FB1]  }
0x2b: {  	s6 =	sld [smem:$0x3FB2]  }
0x2c: {  	s7 =	sld [smem:$0x3FB3]  }
0x2d: {  	s3 =	simm.s32 $0x108;
	s8 =	sld [smem:$0x3FB4]  }
0x2e: {  	s3 =	simm.s32 @!p0 $0x1082;
	s9 =	sld [smem:$0x3FB5]  }
0x2f: {  	lr =	sadd.s32 s0, s3;
	s0 =	sld [smem:$0x3FAC]  }
0x30: {  	s3 =	sld [smem:$0x3FAF]  }
0x31: {  	[smem:$0x3FB8] =	sst s10  }
0x32: {  	s10 =	sld [smem:$0x3FB6];
	_ =	sdelay $0x3  }
0x33: {  	p0 =	seq.s32 s10, $0x1;
	s10 =	sld [smem:$0x3FB8];
	_ =	sdelay $0x3  }
0x34: {  	[smem:$0x3FB8] =	sst s10  }
0x35: {  	s10 =	sld [smem:$0x3FB7];
	_ =	sdelay $0x3  }
0x36: {  	p1 =	seq.s32 s10, $0x1;
	s10 =	sld [smem:$0x3FB8];
	_ =	sdelay $0x3  }
0x37: {  	[smem:$0x3FB8] =	sst s10  }
0x38: {  	s10 =	sld [smem:$0x3FB9]  }
0x39: {  	_ = 	snop;
	(pc) =	sbr.ind lr, $3  }
0x3a: {  	_ = 	snop  }
0x3b: {  	_ = 	snop  }
0x3c: {  	p2 =	seq.s32 s10, $0x1;
	s10 =	sld [smem:$0x3FB8]  }
0x3d: {  	_ =	shalt  }
0x3e: {  	_ =	shalt  }
0x3f: {  	_ =	shalt  }
0x40: {  	_ =	shalt  }
0x41: {  	_ =	shalt  }
0x42: {  	_ =	shalt  }
0x43: {  	_ =	shalt  }
0x44: {  	_ =	shalt  }
0x45: {  	_ =	shalt  }
0x46: {  	_ =	shalt  }
0x47: {  	_ =	shalt  }
0x48: {  	_ =	shalt  }
0x49: {  	_ =	shalt  }
0x4a: {  	_ =	shalt  }
0x4b: {  	_ =	shalt  }
0x4c: {  	_ =	shalt  }
0x4d: {  	_ =	shalt  }
0x4e: {  	_ =	shalt  }
0x4f: {  	_ =	shalt  }
0x50: {  	_ =	shalt  }
0x51: {  	_ =	shalt  }
0x52: {  	_ =	shalt  }
0x53: {  	_ =	shalt  }
0x54: {  	_ =	shalt  }
0x55: {  	_ =	shalt  }
0x56: {  	_ =	shalt  }
0x57: {  	_ =	shalt  }
0x58: {  	_ =	shalt  }
0x59: {  	_ =	shalt  }
0x5a: {  	_ =	shalt  }
0x5b: {  	_ =	shalt  }
0x5c: {  	_ =	shalt  }
0x5d: {  	_ =	shalt  }
0x5e: {  	_ =	shalt  }
0x5f: {  	_ =	shalt  }
0x60: {  	_ =	shalt  }
0x61: {  	_ =	shalt  }
0x62: {  	_ =	shalt  }
0x63: {  	_ =	shalt  }
0x64: {  	_ =	shalt  }
0x65: {  	_ =	shalt  }
0x66: {  	_ =	shalt  }
0x67: {  	_ =	shalt  }
0x68: {  	_ =	shalt  }
0x69: {  	_ =	shalt  }
0x6a: {  	_ =	shalt  }
0x6b: {  	_ =	shalt  }
0x6c: {  	_ =	shalt  }
0x6d: {  	_ =	shalt  }
0x6e: {  	_ =	shalt  }
0x6f: {  	_ =	shalt  }
0x70: {  	_ =	shalt  }
0x71: {  	_ =	shalt  }
0x72: {  	_ =	shalt  }
0x73: {  	_ =	shalt  }
0x74: {  	_ =	shalt  }
0x75: {  	_ =	shalt  }
0x76: {  	_ =	shalt  }
0x77: {  	_ =	shalt  }
0x78: {  	_ =	shalt  }
0x79: {  	_ =	shalt  }
0x7a: {  	_ =	shalt  }
0x7b: {  	_ =	shalt  }
0x7c: {  	_ =	shalt  }
0x7d: {  	_ =	shalt  }
0x7e: {  	_ =	shalt  }
0x7f: {  	_ =	shalt  }
0x80: {  	_ =	shalt  }
0x81: {  	_ =	shalt  }
0x82: {  	_ =	shalt  }
0x83: {  	_ =	shalt  }
0x84: {  	_ =	shalt  }
0x85: {  	_ =	shalt  }
0x86: {  	_ =	shalt  }
0x87: {  	_ =	shalt  }
.Lfunc_end0:
.L_simem_size_0:
called_computation_lowered:
.L_overlay_start_0:
0x88: {  	s2 =	sld [smem:$0x3FD9]  }
0x89: {  	s3 =	sld [smem:$0x3FFE];
	_ =	sdelay $0x1  }
0x8a: {  	s1 =	srdreg.scid  }
0x8b: {  	s0 =	sand.u32 $0x1, s1  }
0x8c: {  	s17 =	sshll.u32 s0, $0xA;
	s2 =	sadd.s32 s3, s2  }
0x8d: {  	s2 =	sadd.s32 s2, s17  }
0x8e: {  	[smem:$0x3FC4] =	sst s2  }
0x8f: {  	_ = 	snop  }
0x90: {  	s2 =	sld [smem:$0x3FD0];
	(tm) =	ssettm $0x1  }
0x91: {  	s18 =	sld [smem:$0x3FFB];
	_ =	sdelay $0x3  }
0x92: {  	_ =	strace s18  }
0x93: {  	s3 =	sld [smem:$0x3FFC];
	_ =	sdelay $0x3  }
0x94: {  	_ =	strace s3  }
0x95: {  	s3 =	sld [smem:$0x3FFD];
	_ =	sdelay $0x3  }
0x96: {  	_ =	strace s3  }
0x97: {  	_ =	strace $0x8FFFFFFF  }
0x98: {  	s19 =	sld [smem:$0x3FDB];
	_ =	sdelay $0x1  }
0x99: {  	s4 =	simm.s32 $_scs_section_size  }
0x9a: {  	s5 =	simm.s32 $_size__tile_overlayer_lowered;
	s6 =	simm.s32 $_tile_overlayer_lowered  }
0x9b: {  	s22 =	simm.s32 $0x1BFF;
	s21 =	sshll.u32 s6, $0x1;
	s3 =	sadd.s32 s4, s19  }
0x9c: {  	s7 =	simm.s32 $0x0;
	s20 =	sshll.u32 s5, $0x1;
	s5 =	sadd.s32 s21, s3  }
0x9d: {  	[timem:s7], [sflag:s22] =	dma.local [hbm:s5], s20  }
0x9e: {  	_ =	swait.ge [sflag:s22], s20  }
0x9f: {  	s4 =	ssub.s32 $0x0, s20;
	[sflag:s22] =	ssyncset.done $0x0  }
0xa0: {  	[sflag:s22] =	ssyncadd.s32 s4;
	_ =	sdelay $0x1  }
0xa1: {  	s23 =	simm.s32 $0x1B8B  }
0xa2: {  	_ =	swait.ge [sflag:s23], $0x1  }
0xa3: {  	[sflag:s23] =	ssyncset.done $0x0  }
0xa4: {  	s25 =	simm.s32 $0x1B8E;
	s24 =	sld [smem:$0x3FFE];
	[sflag:s23] =	ssyncadd.s32 $0xFFFFFFFF  }
0xa5: {  	s26 =	simm.s32 $execute0_lowered;
	[smem:$0x3FD2] =	sst s25  }
0xa6: {  	s5 =	sshll.u32 s26, $0x1;
	_ =	strace $0x80000046;
	[dreg:$0x1] =	wrdreg $0xFFFFFFFF  }
0xa7: {  	s28 =	simm.s32 $_size_execute0_lowered;
	s3 =	sadd.s32 s3, s5;
	[dreg:$0x0] =	wrdreg $0x0  }
0xa8: {  	s5 =	sshll.u32 s28, $0x1;
	[dreg:$0x2] =	wrdreg s3  }
0xa9: {  	[dreg:$0x3] =	wrdreg s5  }
0xaa: {  	[dreg:$0x4] =	wrdreg $0xC0  }
0xab: {  	_ =	task [dreg:s7], $0x5FFFF  }
0xac: {  	[dreg:$0x1] =	wrdreg $0xFFFFFFFF  }
0xad: {  	[dreg:$0x0] =	wrdreg $0x60  }
0xae: {  	[dreg:$0x2] =	wrdreg s24  }
0xaf: {  	[dreg:$0x3] =	wrdreg s2  }
0xb0: {  	[dreg:$0x4] =	wrdreg $0x9  }
0xb1: {  	_ =	task.clear_ibuf [dreg:s7], $0x5FFFF;
	_ =	strace $0x90000046  }
0xb2: {  	s29 =	simm.s32 $0x9;
	_ =	strace $0x80000048  }
0xb3: {  	_ =	swait.ge [sflag:s29], $0x1  }
0xb4: {  	[sflag:s29] =	ssyncadd.s32 $0xFFFFFFFF  }
0xb5: {  	_ =	strace $0x90000048  }
0xb6: {  	_ =	sfence  }
0xb7: {  	s30 =	sld [smem:$0x0];
	_ =	sdelay $0x2  }
0xb8: {  	s31 =	sshll.u32 s1, $0xD;
	s1 =	sshrl.u32 s1, $0x2  }
0xb9: {  	s3 =	sand.u32 $0x4000, s31;
	s1 =	sadd.s32 s1, s30  }
0xba: {  	s0 =	sor.u32 s3, s0;
	s1 =	sshll.u32 s1, $0x11  }
0xbb: {  	s0 =	sor.u32 s1, s0  }
0xbc: {  	s0 =	sadd.s32 $0x8F2B, s0  }
0xbd: {  	[sflag:s0] =	ssyncadd.remote.s32 $0x1  }
0xbe: {  	_ =	sfence.sel $0xFFFF  }
0xbf: {  	[dreg:$0x0] =	wrdreg $0xFFFFFFFF;
	(pc) =	sbr.abs _section_cstart, $3  }
0xc0: {  	[dreg:$0x1] =	wrdreg $0xFFFFFFFF  }
0xc1: {  	_ =	task.clear_ibuf [dreg:s7], $0x2FFFF;
	_ =	strace $0x9FFFFFFF  }
0xc2: {  	(tm) =	ssettm $0x7FFFFFFF  }
0xc3: {  	_ =	shalt  }
tec
execute0_lowered:
.L_overlay_start_1:
0x0: {  	(tag) =	ssettag $0x1  }
0x1: {  	s0 =	rddreg [dreg:$0x0]  }
0x2: {  	s1 =	rddreg [dreg:$0x1];
	s3 =	srdreg.scid  }
0x3: {  	s11 =	stileid.u32;
	s2 =	simm.s32 $0x0;
	s12 =	simm.s32 $0x2400  }
0x4: {  	s16 =	simm.s32 $0x11400;
	s17 =	simm.s32 $0x11C00;
	s18 =	simm.s32 $0x12400  }
0x5: {  	s19 =	simm.s32 $0x12C00;
	s28 =	simm.s32 $0x16C00;
	s29 =	simm.s32 $0x17400  }
0x6: {  	s30 =	simm.s32 $0x17C00;
	s31 =	simm.s32 $0x18400;
	s13 =	simm.s32 $0x0  }
0x7: {  	s4 =	sand.u32 $0x1, s3;
	s20 =	sshll.u32 s11, $0x1;
	s22 =	smul.u32 $0xCC000, s11  }
0x8: {  	s5 =	sor.u32 s4, s20;
	s7 =	ssub.s32 $0x2, s4;
	s4 =	smul.u32 $0x66000, s4  }
0x9: {  	[smem:$0x7FF] =	sst s2;
	s3 =	sadd.s32 $0xA000, s0;
	s6 =	smul.u32 $0x480, s5  }
0xa: {  	_ =	strace $0x80000047;
	s20 =	simm.s32 $0x13400;
	s8 =	smul.u32 $0x66000, s5  }
0xb: {  	s9 =	sshrl.u32 s7, $0x1;
	s10 =	smul.u32 $0x330000, s5;
	s5 =	sadd.s32 $0xA100, s0  }
0xc: {  	s7 =	ssub.s32 s7, s9;
	s9 =	simm.s32 $0xE400;
	s6 =	sadd.s32 s6, s0  }
0xd: {  	s23 =	sshrl.u32 s10, $0x3;
	s8 =	sadd.s32 s1, s8;
	s26 =	smax.u32 s7, $0x1  }
0xe: {  	s7 =	simm.s32 $0x3;
	s10 =	simm.s32 $0x4;
	s21 =	sadd.s32 $0x1000, s6  }
0xf: {  	[dreg:$0x5] =	wrdreg s8;
	s0 =	sadd.s32 s1, s23;
	s1 =	sadd.s32 s22, s1  }
0x10: {  	[dreg:$0x9] =	wrdreg s26;
	s8 =	simm.s32 $0x1;
	s22 =	simm.s32 $0x14400  }
0x11: {  	s23 =	simm.s32 $0x14C00;
	[dreg:$0x4] =	wrdreg s21;
	s24 =	sadd.s32 $0x61800, s0  }
0x12: {  	s26 =	simm.s32 $0x16400;
	s25 =	sadd.s32 $0x63000, s0;
	[dreg:$0x6] =	wrdreg s24  }
0x13: {  	s6 =	simm.s32 $0x2;
	s0 =	sadd.s32 $0x64800, s0;
	[dreg:$0x7] =	wrdreg s25  }
0x14: {  	v2 =	vlaneseq.u32;
	s1 =	sadd.s32 s4, s1;
	s21 =	simm.s32 $0x13C00;
	[dreg:$0x8] =	wrdreg s0  }
0x15: {  	vm0 =	vmmov $0xffff;
	v1 =	vshrl.u32 v2, $0x3;
	s4 =	simm.s32 $0x19C00;
	[dreg:$0x3] =	wrdreg s1;
	s24 =	simm.s32 $0x15400  }
0x16: {  	v0 =	vand.u32 $0x7, v2;
	v2 =	vor.u32 $0x8, v2;
	v1 =	vmul.u32 $0x8, v1;
	s25 =	simm.s32 $0x15C00;
	s0 =	simm.s32 $0x18C00;
	s1 =	simm.s32 $0x19400  }
.LBB2_1:
0x17: {  	[dreg:$0xa] =	wrdreg s13  }
0x18: {  	s11 =	rddreg [dreg:$0x4];
	s13 =	simm.s32 $0x5  }
0x19: {  	[tilespmem:s2], [sflag:$0x5] =	stream.linear.gather [hbm4b:s11+s2], $0x2200, $0x38;
	[tilespmem:$0x1A400] =	vst v63  }
0x1a: {  	_ =	swait.ge [sflag:s13], $0x2200  }
0x1b: {  	[sflag:s13] =	ssyncset.done $0x0  }
0x1c: {  	[sflag:s13] =	ssyncadd.s32 $0xFFFFDE00  }
0x1d: {  	v3 =	vld [tilespmem:$0x0];
	_ =	sdelay $0x4  }
0x1e: {  	v4 =	vshll.u32 v3, $0x2  }
0x1f: {  	v3 =	vand.u32 $0x7, v3;
	v4 =	vand.u32 $0xFFFFFFE0, v4  }
0x20: {  	v3 =	vor.u32 v3, v4  }
0x21: {  	v4 =	vperm.xlane v3, v0;
	_ =	sdelay $0x1  }
0x22: {  	v4 =	vadd.s32 v1, v4;
	_ =	sdelay $0x1  }
0x23: {  	v3 =	vperm.xlane v3, v2;
	_ =	sdelay $0x1  }
0x24: {  	v3 =	vadd.s32 v1, v3  }
0x25: {  	[tilespmem:s12], [sflag:$0x1] =	stream.indirect_vreg.gather [hbm4b:s3+s2], $0x80, v4, vm0, $0xb8;
	[tilespmem:$0x1A400] =	vst v63  }
0x26: {  	s14 =	simm.s32 $0x2C00  }
0x27: {  	[tilespmem:s14], [sflag:$0x1] =	stream.indirect_vreg.gather [hbm4b:s5+s2], $0x80, v4, vm0, $0xb8;
	[tilespmem:$0x1A400] =	vst v63  }
0x28: {  	s15 =	simm.s32 $0x3400  }
0x29: {  	[tilespmem:s15], [sflag:$0x1] =	stream.indirect_vreg.gather [hbm4b:s3+s2], $0x80, v3, vm0, $0xb8;
	[tilespmem:$0x1A400] =	vst v63  }
0x2a: {  	s13 =	simm.s32 $0x3C00  }
0x2b: {  	[tilespmem:s13], [sflag:$0x1] =	stream.indirect_vreg.gather [hbm4b:s5+s2], $0x80, v3, vm0, $0xb8;
	[tilespmem:$0x1A400] =	vst v63  }
0x2c: {  	v3 =	vld [tilespmem:$0x10];
	_ =	sdelay $0x4  }
0x2d: {  	v53 =	vshll.u32 v3, $0x2  }
0x2e: {  	v3 =	vand.u32 $0x7, v3;
	v4 =	vand.u32 $0xFFFFFFE0, v53  }
0x2f: {  	v3 =	vor.u32 v3, v4  }
0x30: {  	v4 =	vperm.xlane v3, v0;
	_ =	sdelay $0x1  }
0x31: {  	v4 =	vadd.s32 v1, v4;
	_ =	sdelay $0x1  }
0x32: {  	v3 =	vperm.xlane v3, v2;
	_ =	sdelay $0x1  }
0x33: {  	s14 =	simm.s32 $0x4400;
	v3 =	vadd.s32 v1, v3  }
0x34: {  	[tilespmem:s14], [sflag:$0x1] =	stream.indirect_vreg.gather [hbm4b:s3+s2], $0x80, v4, vm0, $0xb8;
	[tilespmem:$0x1A400] =	vst v63  }
0x35: {  	s15 =	simm.s32 $0x4C00  }
0x36: {  	[tilespmem:s15], [sflag:$0x1] =	stream.indirect_vreg.gather [hbm4b:s5+s2], $0x80, v4, vm0, $0xb8;
	[tilespmem:$0x1A400] =	vst v63  }
0x37: {  	s13 =	simm.s32 $0x5400  }
0x38: {  	[tilespmem:s13], [sflag:$0x1] =	stream.indirect_vreg.gather [hbm4b:s3+s2], $0x80, v3, vm0, $0xb8;
	[tilespmem:$0x1A400] =	vst v63  }
0x39: {  	s14 =	simm.s32 $0x5C00  }
0x3a: {  	[tilespmem:s14], [sflag:$0x1] =	stream.indirect_vreg.gather [hbm4b:s5+s2], $0x80, v3, vm0, $0xb8;
	[tilespmem:$0x1A400] =	vst v63  }
0x3b: {  	v3 =	vld [tilespmem:$0x20];
	_ =	sdelay $0x4  }
0x3c: {  	v54 =	vshll.u32 v3, $0x2  }
0x3d: {  	v3 =	vand.u32 $0x7, v3;
	v4 =	vand.u32 $0xFFFFFFE0, v54  }
0x3e: {  	v3 =	vor.u32 v3, v4  }
0x3f: {  	v4 =	vperm.xlane v3, v0;
	_ =	sdelay $0x1  }
0x40: {  	v4 =	vadd.s32 v1, v4;
	_ =	sdelay $0x1  }
0x41: {  	v3 =	vperm.xlane v3, v2;
	_ =	sdelay $0x1  }
0x42: {  	s15 =	simm.s32 $0x6400;
	v3 =	vadd.s32 v1, v3  }
0x43: {  	[tilespmem:s15], [sflag:$0x1] =	stream.indirect_vreg.gather [hbm4b:s3+s2], $0x80, v4, vm0, $0xb8;
	[tilespmem:$0x1A400] =	vst v63  }
0x44: {  	s13 =	simm.s32 $0x6C00  }
0x45: {  	[tilespmem:s13], [sflag:$0x1] =	stream.indirect_vreg.gather [hbm4b:s5+s2], $0x80, v4, vm0, $0xb8;
	[tilespmem:$0x1A400] =	vst v63  }
0x46: {  	s14 =	simm.s32 $0x7400  }
0x47: {  	[tilespmem:s14], [sflag:$0x1] =	stream.indirect_vreg.gather [hbm4b:s3+s2], $0x80, v3, vm0, $0xb8;
	[tilespmem:$0x1A400] =	vst v63  }
0x48: {  	s15 =	simm.s32 $0x7C00  }
0x49: {  	[tilespmem:s15], [sflag:$0x1] =	stream.indirect_vreg.gather [hbm4b:s5+s2], $0x80, v3, vm0, $0xb8;
	[tilespmem:$0x1A400] =	vst v63  }
0x4a: {  	v3 =	vld [tilespmem:$0x30];
	_ =	sdelay $0x4  }
0x4b: {  	v55 =	vshll.u32 v3, $0x2  }
0x4c: {  	v3 =	vand.u32 $0x7, v3;
	v4 =	vand.u32 $0xFFFFFFE0, v55  }
0x4d: {  	v3 =	vor.u32 v3, v4  }
0x4e: {  	v4 =	vperm.xlane v3, v0;
	_ =	sdelay $0x1  }
0x4f: {  	v4 =	vadd.s32 v1, v4;
	_ =	sdelay $0x1  }
0x50: {  	v3 =	vperm.xlane v3, v2;
	_ =	sdelay $0x1  }
0x51: {  	s13 =	simm.s32 $0x8400;
	v3 =	vadd.s32 v1, v3  }
0x52: {  	[tilespmem:s13], [sflag:$0x1] =	stream.indirect_vreg.gather [hbm4b:s3+s2], $0x80, v4, vm0, $0xb8;
	[tilespmem:$0x1A400] =	vst v63  }
0x53: {  	s14 =	simm.s32 $0x8C00  }
0x54: {  	[tilespmem:s14], [sflag:$0x1] =	stream.indirect_vreg.gather [hbm4b:s5+s2], $0x80, v4, vm0, $0xb8;
	[tilespmem:$0x1A400] =	vst v63  }
0x55: {  	s15 =	simm.s32 $0x9400  }
0x56: {  	[tilespmem:s15], [sflag:$0x1] =	stream.indirect_vreg.gather [hbm4b:s3+s2], $0x80, v3, vm0, $0xb8;
	[tilespmem:$0x1A400] =	vst v63  }
0x57: {  	s13 =	simm.s32 $0x9C00  }
0x58: {  	[tilespmem:s13], [sflag:$0x1] =	stream.indirect_vreg.gather [hbm4b:s5+s2], $0x80, v3, vm0, $0xb8;
	[tilespmem:$0x1A400] =	vst v63  }
0x59: {  	v3 =	vld [tilespmem:$0x40];
	_ =	sdelay $0x4  }
0x5a: {  	v56 =	vshll.u32 v3, $0x2  }
0x5b: {  	v3 =	vand.u32 $0x7, v3;
	v4 =	vand.u32 $0xFFFFFFE0, v56  }
0x5c: {  	v3 =	vor.u32 v3, v4  }
0x5d: {  	v4 =	vperm.xlane v3, v0;
	_ =	sdelay $0x1  }
0x5e: {  	v4 =	vadd.s32 v1, v4;
	_ =	sdelay $0x1  }
0x5f: {  	v3 =	vperm.xlane v3, v2;
	_ =	sdelay $0x1  }
0x60: {  	s14 =	simm.s32 $0xA400;
	v3 =	vadd.s32 v1, v3  }
0x61: {  	[tilespmem:s14], [sflag:$0x1] =	stream.indirect_vreg.gather [hbm4b:s3+s2], $0x80, v4, vm0, $0xb8;
	[tilespmem:$0x1A400] =	vst v63  }
0x62: {  	s15 =	simm.s32 $0xAC00  }
0x63: {  	[tilespmem:s15], [sflag:$0x1] =	stream.indirect_vreg.gather [hbm4b:s5+s2], $0x80, v4, vm0, $0xb8;
	[tilespmem:$0x1A400] =	vst v63  }
0x64: {  	s13 =	simm.s32 $0xB400  }
0x65: {  	[tilespmem:s13], [sflag:$0x1] =	stream.indirect_vreg.gather [hbm4b:s3+s2], $0x80, v3, vm0, $0xb8;
	[tilespmem:$0x1A400] =	vst v63  }
0x66: {  	s14 =	simm.s32 $0xBC00  }
0x67: {  	[tilespmem:s14], [sflag:$0x1] =	stream.indirect_vreg.gather [hbm4b:s5+s2], $0x80, v3, vm0, $0xb8;
	[tilespmem:$0x1A400] =	vst v63  }
0x68: {  	v3 =	vld [tilespmem:$0x50];
	_ =	sdelay $0x4  }
0x69: {  	v57 =	vshll.u32 v3, $0x2  }
0x6a: {  	v3 =	vand.u32 $0x7, v3;
	v4 =	vand.u32 $0xFFFFFFE0, v57  }
0x6b: {  	v3 =	vor.u32 v3, v4  }
0x6c: {  	v4 =	vperm.xlane v3, v0;
	_ =	sdelay $0x1  }
0x6d: {  	v4 =	vadd.s32 v1, v4;
	_ =	sdelay $0x1  }
0x6e: {  	v3 =	vperm.xlane v3, v2;
	_ =	sdelay $0x1  }
0x6f: {  	s15 =	simm.s32 $0xC400;
	v3 =	vadd.s32 v1, v3  }
0x70: {  	[tilespmem:s15], [sflag:$0x1] =	stream.indirect_vreg.gather [hbm4b:s3+s2], $0x80, v4, vm0, $0xb8;
	[tilespmem:$0x1A400] =	vst v63  }
0x71: {  	s13 =	simm.s32 $0xCC00  }
0x72: {  	[tilespmem:s13], [sflag:$0x1] =	stream.indirect_vreg.gather [hbm4b:s5+s2], $0x80, v4, vm0, $0xb8;
	[tilespmem:$0x1A400] =	vst v63  }
0x73: {  	s14 =	simm.s32 $0xD400  }
0x74: {  	[tilespmem:s14], [sflag:$0x1] =	stream.indirect_vreg.gather [hbm4b:s3+s2], $0x80, v3, vm0, $0xb8;
	[tilespmem:$0x1A400] =	vst v63  }
0x75: {  	s15 =	simm.s32 $0xDC00  }
0x76: {  	[tilespmem:s15], [sflag:$0x1] =	stream.indirect_vreg.gather [hbm4b:s5+s2], $0x80, v3, vm0, $0xb8;
	[tilespmem:$0x1A400] =	vst v63  }
0x77: {  	_ =	swait.ge [sflag:s8], $0xC000  }
0x78: {  	[sflag:s8] =	ssyncset.done $0x0  }
0x79: {  	s13 =	rddreg [dreg:$0x5];
	[sflag:s8] =	ssyncadd.s32 $0xFFFF4000  }
0x7a: {  	[hbm4b:s13+s2] =	stream.linear.scatter [tilespmem:s12], [sflag:$0x3], $0xC000, $0x38;
	[tilespmem:$0x1A400] =	vst v63  }
0x7b: {  	v3 =	vld [tilespmem:$0x80];
	_ =	sdelay $0x4  }
0x7c: {  	v58 =	vshll.u32 v3, $0x2  }
0x7d: {  	v3 =	vand.u32 $0x7, v3;
	v4 =	vand.u32 $0xFFFFFFE0, v58  }
0x7e: {  	v3 =	vor.u32 v3, v4  }
0x7f: {  	v4 =	vperm.xlane v3, v0;
	_ =	sdelay $0x1  }
0x80: {  	v4 =	vadd.s32 v1, v4;
	_ =	sdelay $0x1  }
0x81: {  	v3 =	vperm.xlane v3, v2;
	_ =	sdelay $0x1  }
0x82: {  	v3 =	vadd.s32 v1, v3  }
0x83: {  	[tilespmem:s9], [sflag:$0x2] =	stream.indirect_vreg.gather [hbm4b:s3+s2], $0x80, v4, vm0, $0xb8;
	[tilespmem:$0x1A400] =	vst v63  }
0x84: {  	s14 =	simm.s32 $0xEC00  }
0x85: {  	[tilespmem:s14], [sflag:$0x2] =	stream.indirect_vreg.gather [hbm4b:s5+s2], $0x80, v4, vm0, $0xb8;
	[tilespmem:$0x1A400] =	vst v63  }
0x86: {  	s15 =	simm.s32 $0xF400  }
0x87: {  	[tilespmem:s15], [sflag:$0x2] =	stream.indirect_vreg.gather [hbm4b:s3+s2], $0x80, v3, vm0, $0xb8;
	[tilespmem:$0x1A400] =	vst v63  }
0x88: {  	s13 =	simm.s32 $0xFC00  }
0x89: {  	[tilespmem:s13], [sflag:$0x2] =	stream.indirect_vreg.gather [hbm4b:s5+s2], $0x80, v3, vm0, $0xb8;
	[tilespmem:$0x1A400] =	vst v63  }
0x8a: {  	v3 =	vld [tilespmem:$0x90];
	_ =	sdelay $0x4  }
0x8b: {  	v59 =	vshll.u32 v3, $0x2  }
0x8c: {  	v3 =	vand.u32 $0x7, v3;
	v4 =	vand.u32 $0xFFFFFFE0, v59  }
0x8d: {  	v3 =	vor.u32 v3, v4  }
0x8e: {  	v4 =	vperm.xlane v3, v0;
	_ =	sdelay $0x1  }
0x8f: {  	v4 =	vadd.s32 v1, v4;
	_ =	sdelay $0x1  }
0x90: {  	v3 =	vperm.xlane v3, v2;
	_ =	sdelay $0x1  }
0x91: {  	s14 =	simm.s32 $0x10400;
	v3 =	vadd.s32 v1, v3  }
0x92: {  	[tilespmem:s14], [sflag:$0x2] =	stream.indirect_vreg.gather [hbm4b:s3+s2], $0x80, v4, vm0, $0xb8;
	[tilespmem:$0x1A400] =	vst v63  }
0x93: {  	s15 =	simm.s32 $0x10C00  }
0x94: {  	[tilespmem:s15], [sflag:$0x2] =	stream.indirect_vreg.gather [hbm4b:s5+s2], $0x80, v4, vm0, $0xb8;
	[tilespmem:$0x1A400] =	vst v63  }
0x95: {  	_ = 	snop  }
0x96: {  	[tilespmem:s16], [sflag:$0x2] =	stream.indirect_vreg.gather [hbm4b:s3+s2], $0x80, v3, vm0, $0xb8;
	[tilespmem:$0x1A400] =	vst v63  }
0x97: {  	_ = 	snop  }
0x98: {  	[tilespmem:s17], [sflag:$0x2] =	stream.indirect_vreg.gather [hbm4b:s5+s2], $0x80, v3, vm0, $0xb8;
	[tilespmem:$0x1A400] =	vst v63  }
0x99: {  	v3 =	vld [tilespmem:$0xA0];
	_ =	sdelay $0x4  }
0x9a: {  	v60 =	vshll.u32 v3, $0x2  }
0x9b: {  	v3 =	vand.u32 $0x7, v3;
	v4 =	vand.u32 $0xFFFFFFE0, v60  }
0x9c: {  	v3 =	vor.u32 v3, v4  }
0x9d: {  	v4 =	vperm.xlane v3, v0;
	_ =	sdelay $0x1  }
0x9e: {  	v4 =	vadd.s32 v1, v4;
	_ =	sdelay $0x1  }
0x9f: {  	v3 =	vperm.xlane v3, v2;
	_ =	sdelay $0x1  }
0xa0: {  	v3 =	vadd.s32 v1, v3  }
0xa1: {  	[tilespmem:s18], [sflag:$0x2] =	stream.indirect_vreg.gather [hbm4b:s3+s2], $0x80, v4, vm0, $0xb8;
	[tilespmem:$0x1A400] =	vst v63  }
0xa2: {  	_ = 	snop  }
0xa3: {  	[tilespmem:s19], [sflag:$0x2] =	stream.indirect_vreg.gather [hbm4b:s5+s2], $0x80, v4, vm0, $0xb8;
	[tilespmem:$0x1A400] =	vst v63  }
0xa4: {  	_ = 	snop  }
0xa5: {  	[tilespmem:s20], [sflag:$0x2] =	stream.indirect_vreg.gather [hbm4b:s3+s2], $0x80, v3, vm0, $0xb8;
	[tilespmem:$0x1A400] =	vst v63  }
0xa6: {  	_ = 	snop  }
0xa7: {  	[tilespmem:s21], [sflag:$0x2] =	stream.indirect_vreg.gather [hbm4b:s5+s2], $0x80, v3, vm0, $0xb8;
	[tilespmem:$0x1A400] =	vst v63  }
0xa8: {  	v3 =	vld [tilespmem:$0xB0];
	_ =	sdelay $0x4  }
0xa9: {  	v61 =	vshll.u32 v3, $0x2  }
0xaa: {  	v3 =	vand.u32 $0x7, v3;
	v4 =	vand.u32 $0xFFFFFFE0, v61  }
0xab: {  	v3 =	vor.u32 v3, v4  }
0xac: {  	v4 =	vperm.xlane v3, v0;
	_ =	sdelay $0x1  }
0xad: {  	v4 =	vadd.s32 v1, v4;
	_ =	sdelay $0x1  }
0xae: {  	v3 =	vperm.xlane v3, v2;
	_ =	sdelay $0x1  }
0xaf: {  	v3 =	vadd.s32 v1, v3  }
0xb0: {  	[tilespmem:s22], [sflag:$0x2] =	stream.indirect_vreg.gather [hbm4b:s3+s2], $0x80, v4, vm0, $0xb8;
	[tilespmem:$0x1A400] =	vst v63  }
0xb1: {  	_ = 	snop  }
0xb2: {  	[tilespmem:s23], [sflag:$0x2] =	stream.indirect_vreg.gather [hbm4b:s5+s2], $0x80, v4, vm0, $0xb8;
	[tilespmem:$0x1A400] =	vst v63  }
0xb3: {  	_ = 	snop  }
0xb4: {  	[tilespmem:s24], [sflag:$0x2] =	stream.indirect_vreg.gather [hbm4b:s3+s2], $0x80, v3, vm0, $0xb8;
	[tilespmem:$0x1A400] =	vst v63  }
0xb5: {  	_ = 	snop  }
0xb6: {  	[tilespmem:s25], [sflag:$0x2] =	stream.indirect_vreg.gather [hbm4b:s5+s2], $0x80, v3, vm0, $0xb8;
	[tilespmem:$0x1A400] =	vst v63  }
0xb7: {  	v3 =	vld [tilespmem:$0xC0];
	_ =	sdelay $0x4  }
0xb8: {  	v62 =	vshll.u32 v3, $0x2  }
0xb9: {  	v3 =	vand.u32 $0x7, v3;
	v4 =	vand.u32 $0xFFFFFFE0, v62  }
0xba: {  	v3 =	vor.u32 v3, v4  }
0xbb: {  	v4 =	vperm.xlane v3, v0;
	_ =	sdelay $0x1  }
0xbc: {  	v4 =	vadd.s32 v1, v4;
	_ =	sdelay $0x1  }
0xbd: {  	v3 =	vperm.xlane v3, v2;
	_ =	sdelay $0x1  }
0xbe: {  	v3 =	vadd.s32 v1, v3  }
0xbf: {  	[tilespmem:s26], [sflag:$0x2] =	stream.indirect_vreg.gather [hbm4b:s3+s2], $0x80, v4, vm0, $0xb8;
	[tilespmem:$0x1A400] =	vst v63  }
0xc0: {  	_ = 	snop  }
0xc1: {  	[tilespmem:s28], [sflag:$0x2] =	stream.indirect_vreg.gather [hbm4b:s5+s2], $0x80, v4, vm0, $0xb8;
	[tilespmem:$0x1A400] =	vst v63  }
0xc2: {  	_ = 	snop  }
0xc3: {  	[tilespmem:s29], [sflag:$0x2] =	stream.indirect_vreg.gather [hbm4b:s3+s2], $0x80, v3, vm0, $0xb8;
	[tilespmem:$0x1A400] =	vst v63  }
0xc4: {  	_ = 	snop  }
0xc5: {  	[tilespmem:s30], [sflag:$0x2] =	stream.indirect_vreg.gather [hbm4b:s5+s2], $0x80, v3, vm0, $0xb8;
	[tilespmem:$0x1A400] =	vst v63  }
0xc6: {  	v3 =	vld [tilespmem:$0xD0];
	_ =	sdelay $0x4  }
0xc7: {  	v63 =	vshll.u32 v3, $0x2  }
0xc8: {  	v3 =	vand.u32 $0x7, v3;
	v4 =	vand.u32 $0xFFFFFFE0, v63  }
0xc9: {  	v3 =	vor.u32 v3, v4  }
0xca: {  	v4 =	vperm.xlane v3, v0;
	_ =	sdelay $0x1  }
0xcb: {  	v4 =	vadd.s32 v1, v4;
	_ =	sdelay $0x1  }
0xcc: {  	v3 =	vperm.xlane v3, v2;
	_ =	sdelay $0x1  }
0xcd: {  	v3 =	vadd.s32 v1, v3  }
0xce: {  	[tilespmem:s31], [sflag:$0x2] =	stream.indirect_vreg.gather [hbm4b:s3+s2], $0x80, v4, vm0, $0xb8;
	[tilespmem:$0x1A400] =	vst v63  }
0xcf: {  	_ = 	snop  }
0xd0: {  	[tilespmem:s0], [sflag:$0x2] =	stream.indirect_vreg.gather [hbm4b:s5+s2], $0x80, v4, vm0, $0xb8;
	[tilespmem:$0x1A400] =	vst v63  }
0xd1: {  	_ = 	snop  }
0xd2: {  	[tilespmem:s1], [sflag:$0x2] =	stream.indirect_vreg.gather [hbm4b:s3+s2], $0x80, v3, vm0, $0xb8;
	[tilespmem:$0x1A400] =	vst v63  }
0xd3: {  	s11 =	simm.s32 $0xFFFA0000;
	s13 =	simm.s32 $0x1D0  }
0xd4: {  	[tilespmem:s4], [sflag:$0x2] =	stream.indirect_vreg.gather [hbm4b:s5+s2], $0x80, v3, vm0, $0xb8;
	[tilespmem:$0x1A400] =	vst v63  }
.LBB2_2:
0xd5: {  	_ =	swait.ge [sflag:s6], $0xC000  }
0xd6: {  	s14 =	rddreg [dreg:$0x3]  }
0xd7: {  	[sflag:s6] =	ssyncset.done $0x0;
	s14 =	sadd.s32 s11, s14  }
0xd8: {  	[sflag:s6] =	ssyncadd.s32 $0xFFFF4000;
	s15 =	sadd.s32 $0x61800, s14  }
0xd9: {  	[hbm4b:s15+s2] =	stream.linear.scatter [tilespmem:s9], [sflag:$0x4], $0xC000, $0x38;
	[tilespmem:$0x1A400] =	vst v63  }
0xda: {  	_ =	swait.ge [sflag:s7], $0xC000  }
0xdb: {  	[sflag:s7] =	ssyncset.done $0x0  }
0xdc: {  	[sflag:s7] =	ssyncadd.s32 $0xFFFF4000  }
0xdd: {  	v3 =	vld [tilespmem:s13+$0xFFFFFF30];
	_ =	sdelay $0x4  }
0xde: {  	v4 =	vshll.u32 v3, $0x2  }
0xdf: {  	v3 =	vand.u32 $0x7, v3;
	v4 =	vand.u32 $0xFFFFFFE0, v4  }
0xe0: {  	v3 =	vor.u32 v3, v4  }
0xe1: {  	v4 =	vperm.xlane v3, v0;
	_ =	sdelay $0x1  }
0xe2: {  	v4 =	vadd.s32 v1, v4;
	_ =	sdelay $0x1  }
0xe3: {  	v3 =	vperm.xlane v3, v2;
	_ =	sdelay $0x1  }
0xe4: {  	v3 =	vadd.s32 v1, v3  }
0xe5: {  	[tilespmem:s12], [sflag:$0x1] =	stream.indirect_vreg.gather [hbm4b:s3+s2], $0x80, v4, vm0, $0xb8;
	[tilespmem:$0x1A400] =	vst v63  }
0xe6: {  	s15 =	simm.s32 $0x2C00  }
0xe7: {  	[tilespmem:s15], [sflag:$0x1] =	stream.indirect_vreg.gather [hbm4b:s5+s2], $0x80, v4, vm0, $0xb8;
	[tilespmem:$0x1A400] =	vst v63  }
0xe8: {  	s15 =	simm.s32 $0x3400  }
0xe9: {  	[tilespmem:s15], [sflag:$0x1] =	stream.indirect_vreg.gather [hbm4b:s3+s2], $0x80, v3, vm0, $0xb8;
	[tilespmem:$0x1A400] =	vst v63  }
0xea: {  	s15 =	simm.s32 $0x3C00  }
0xeb: {  	[tilespmem:s15], [sflag:$0x1] =	stream.indirect_vreg.gather [hbm4b:s5+s2], $0x80, v3, vm0, $0xb8;
	[tilespmem:$0x1A400] =	vst v63  }
0xec: {  	v3 =	vld [tilespmem:s13+$0xFFFFFF40];
	_ =	sdelay $0x4  }
0xed: {  	v53 =	vshll.u32 v3, $0x2  }
0xee: {  	v3 =	vand.u32 $0x7, v3;
	v4 =	vand.u32 $0xFFFFFFE0, v53  }
0xef: {  	v3 =	vor.u32 v3, v4  }
0xf0: {  	v4 =	vperm.xlane v3, v0;
	_ =	sdelay $0x1  }
0xf1: {  	v4 =	vadd.s32 v1, v4;
	_ =	sdelay $0x1  }
0xf2: {  	v3 =	vperm.xlane v3, v2;
	_ =	sdelay $0x1  }
0xf3: {  	s15 =	simm.s32 $0x4400;
	v3 =	vadd.s32 v1, v3  }
0xf4: {  	[tilespmem:s15], [sflag:$0x1] =	stream.indirect_vreg.gather [hbm4b:s3+s2], $0x80, v4, vm0, $0xb8;
	[tilespmem:$0x1A400] =	vst v63  }
0xf5: {  	s15 =	simm.s32 $0x4C00  }
0xf6: {  	[tilespmem:s15], [sflag:$0x1] =	stream.indirect_vreg.gather [hbm4b:s5+s2], $0x80, v4, vm0, $0xb8;
	[tilespmem:$0x1A400] =	vst v63  }
0xf7: {  	s15 =	simm.s32 $0x5400  }
0xf8: {  	[tilespmem:s15], [sflag:$0x1] =	stream.indirect_vreg.gather [hbm4b:s3+s2], $0x80, v3, vm0, $0xb8;
	[tilespmem:$0x1A400] =	vst v63  }
0xf9: {  	s15 =	simm.s32 $0x5C00  }
0xfa: {  	[tilespmem:s15], [sflag:$0x1] =	stream.indirect_vreg.gather [hbm4b:s5+s2], $0x80, v3, vm0, $0xb8;
	[tilespmem:$0x1A400] =	vst v63  }
0xfb: {  	v3 =	vld [tilespmem:s13+$0xFFFFFF50];
	_ =	sdelay $0x4  }
0xfc: {  	v54 =	vshll.u32 v3, $0x2  }
0xfd: {  	v3 =	vand.u32 $0x7, v3;
	v4 =	vand.u32 $0xFFFFFFE0, v54  }
0xfe: {  	v3 =	vor.u32 v3, v4  }
0xff: {  	v4 =	vperm.xlane v3, v0;
	_ =	sdelay $0x1  }
0x100: {  	v4 =	vadd.s32 v1, v4;
	_ =	sdelay $0x1  }
0x101: {  	v3 =	vperm.xlane v3, v2;
	_ =	sdelay $0x1  }
0x102: {  	s15 =	simm.s32 $0x6400;
	v3 =	vadd.s32 v1, v3  }
0x103: {  	[tilespmem:s15], [sflag:$0x1] =	stream.indirect_vreg.gather [hbm4b:s3+s2], $0x80, v4, vm0, $0xb8;
	[tilespmem:$0x1A400] =	vst v63  }
0x104: {  	s15 =	simm.s32 $0x6C00  }
0x105: {  	[tilespmem:s15], [sflag:$0x1] =	stream.indirect_vreg.gather [hbm4b:s5+s2], $0x80, v4, vm0, $0xb8;
	[tilespmem:$0x1A400] =	vst v63  }
0x106: {  	s15 =	simm.s32 $0x7400  }
0x107: {  	[tilespmem:s15], [sflag:$0x1] =	stream.indirect_vreg.gather [hbm4b:s3+s2], $0x80, v3, vm0, $0xb8;
	[tilespmem:$0x1A400] =	vst v63  }
0x108: {  	s15 =	simm.s32 $0x7C00  }
0x109: {  	[tilespmem:s15], [sflag:$0x1] =	stream.indirect_vreg.gather [hbm4b:s5+s2], $0x80, v3, vm0, $0xb8;
	[tilespmem:$0x1A400] =	vst v63  }
0x10a: {  	v3 =	vld [tilespmem:s13+$0xFFFFFF60];
	_ =	sdelay $0x4  }
0x10b: {  	v55 =	vshll.u32 v3, $0x2  }
0x10c: {  	v3 =	vand.u32 $0x7, v3;
	v4 =	vand.u32 $0xFFFFFFE0, v55  }
0x10d: {  	v3 =	vor.u32 v3, v4  }
0x10e: {  	v4 =	vperm.xlane v3, v0;
	_ =	sdelay $0x1  }
0x10f: {  	v4 =	vadd.s32 v1, v4;
	_ =	sdelay $0x1  }
0x110: {  	v3 =	vperm.xlane v3, v2;
	_ =	sdelay $0x1  }
0x111: {  	s15 =	simm.s32 $0x8400;
	v3 =	vadd.s32 v1, v3  }
0x112: {  	[tilespmem:s15], [sflag:$0x1] =	stream.indirect_vreg.gather [hbm4b:s3+s2], $0x80, v4, vm0, $0xb8;
	[tilespmem:$0x1A400] =	vst v63  }
0x113: {  	s15 =	simm.s32 $0x8C00  }
0x114: {  	[tilespmem:s15], [sflag:$0x1] =	stream.indirect_vreg.gather [hbm4b:s5+s2], $0x80, v4, vm0, $0xb8;
	[tilespmem:$0x1A400] =	vst v63  }
0x115: {  	s15 =	simm.s32 $0x9400  }
0x116: {  	[tilespmem:s15], [sflag:$0x1] =	stream.indirect_vreg.gather [hbm4b:s3+s2], $0x80, v3, vm0, $0xb8;
	[tilespmem:$0x1A400] =	vst v63  }
0x117: {  	s15 =	simm.s32 $0x9C00  }
0x118: {  	[tilespmem:s15], [sflag:$0x1] =	stream.indirect_vreg.gather [hbm4b:s5+s2], $0x80, v3, vm0, $0xb8;
	[tilespmem:$0x1A400] =	vst v63  }
0x119: {  	v3 =	vld [tilespmem:s13+$0xFFFFFF70];
	_ =	sdelay $0x4  }
0x11a: {  	v56 =	vshll.u32 v3, $0x2  }
0x11b: {  	v3 =	vand.u32 $0x7, v3;
	v4 =	vand.u32 $0xFFFFFFE0, v56  }
0x11c: {  	v3 =	vor.u32 v3, v4  }
0x11d: {  	v4 =	vperm.xlane v3, v0;
	_ =	sdelay $0x1  }
0x11e: {  	v4 =	vadd.s32 v1, v4;
	_ =	sdelay $0x1  }
0x11f: {  	v3 =	vperm.xlane v3, v2;
	_ =	sdelay $0x1  }
0x120: {  	s15 =	simm.s32 $0xA400;
	v3 =	vadd.s32 v1, v3  }
0x121: {  	[tilespmem:s15], [sflag:$0x1] =	stream.indirect_vreg.gather [hbm4b:s3+s2], $0x80, v4, vm0, $0xb8;
	[tilespmem:$0x1A400] =	vst v63  }
0x122: {  	s15 =	simm.s32 $0xAC00  }
0x123: {  	[tilespmem:s15], [sflag:$0x1] =	stream.indirect_vreg.gather [hbm4b:s5+s2], $0x80, v4, vm0, $0xb8;
	[tilespmem:$0x1A400] =	vst v63  }
0x124: {  	s15 =	simm.s32 $0xB400  }
0x125: {  	[tilespmem:s15], [sflag:$0x1] =	stream.indirect_vreg.gather [hbm4b:s3+s2], $0x80, v3, vm0, $0xb8;
	[tilespmem:$0x1A400] =	vst v63  }
0x126: {  	s15 =	simm.s32 $0xBC00  }
0x127: {  	[tilespmem:s15], [sflag:$0x1] =	stream.indirect_vreg.gather [hbm4b:s5+s2], $0x80, v3, vm0, $0xb8;
	[tilespmem:$0x1A400] =	vst v63  }
0x128: {  	v3 =	vld [tilespmem:s13+$0xFFFFFF80];
	_ =	sdelay $0x4  }
0x129: {  	v57 =	vshll.u32 v3, $0x2  }
0x12a: {  	v3 =	vand.u32 $0x7, v3;
	v4 =	vand.u32 $0xFFFFFFE0, v57  }
0x12b: {  	v3 =	vor.u32 v3, v4  }
0x12c: {  	v4 =	vperm.xlane v3, v0;
	_ =	sdelay $0x1  }
0x12d: {  	v4 =	vadd.s32 v1, v4;
	_ =	sdelay $0x1  }
0x12e: {  	v3 =	vperm.xlane v3, v2;
	_ =	sdelay $0x1  }
0x12f: {  	s15 =	simm.s32 $0xC400;
	v3 =	vadd.s32 v1, v3  }
0x130: {  	[tilespmem:s15], [sflag:$0x1] =	stream.indirect_vreg.gather [hbm4b:s3+s2], $0x80, v4, vm0, $0xb8;
	[tilespmem:$0x1A400] =	vst v63  }
0x131: {  	s15 =	simm.s32 $0xCC00  }
0x132: {  	[tilespmem:s15], [sflag:$0x1] =	stream.indirect_vreg.gather [hbm4b:s5+s2], $0x80, v4, vm0, $0xb8;
	[tilespmem:$0x1A400] =	vst v63  }
0x133: {  	s15 =	simm.s32 $0xD400  }
0x134: {  	[tilespmem:s15], [sflag:$0x1] =	stream.indirect_vreg.gather [hbm4b:s3+s2], $0x80, v3, vm0, $0xb8;
	[tilespmem:$0x1A400] =	vst v63  }
0x135: {  	s15 =	simm.s32 $0xDC00  }
0x136: {  	[tilespmem:s15], [sflag:$0x1] =	stream.indirect_vreg.gather [hbm4b:s5+s2], $0x80, v3, vm0, $0xb8;
	[tilespmem:$0x1A400] =	vst v63  }
0x137: {  	_ =	swait.ge [sflag:s8], $0xC000  }
0x138: {  	[sflag:s8] =	ssyncset.done $0x0  }
0x139: {  	s14 =	sadd.s32 $0x63000, s14;
	[sflag:s8] =	ssyncadd.s32 $0xFFFF4000  }
0x13a: {  	[hbm4b:s14+s2] =	stream.linear.scatter [tilespmem:s12], [sflag:$0x3], $0xC000, $0x38;
	[tilespmem:$0x1A400] =	vst v63  }
0x13b: {  	_ =	swait.ge [sflag:s10], $0xC000  }
0x13c: {  	[sflag:s10] =	ssyncset.done $0x0  }
0x13d: {  	[sflag:s10] =	ssyncadd.s32 $0xFFFF4000  }
0x13e: {  	v3 =	vld [tilespmem:s13+$0xFFFFFFB0];
	_ =	sdelay $0x4  }
0x13f: {  	v58 =	vshll.u32 v3, $0x2  }
0x140: {  	v3 =	vand.u32 $0x7, v3;
	v4 =	vand.u32 $0xFFFFFFE0, v58  }
0x141: {  	v3 =	vor.u32 v3, v4  }
0x142: {  	v4 =	vperm.xlane v3, v0;
	_ =	sdelay $0x1  }
0x143: {  	v4 =	vadd.s32 v1, v4;
	_ =	sdelay $0x1  }
0x144: {  	v3 =	vperm.xlane v3, v2;
	_ =	sdelay $0x1  }
0x145: {  	v3 =	vadd.s32 v1, v3  }
0x146: {  	[tilespmem:s9], [sflag:$0x2] =	stream.indirect_vreg.gather [hbm4b:s3+s2], $0x80, v4, vm0, $0xb8;
	[tilespmem:$0x1A400] =	vst v63  }
0x147: {  	s15 =	simm.s32 $0xEC00  }
0x148: {  	[tilespmem:s15], [sflag:$0x2] =	stream.indirect_vreg.gather [hbm4b:s5+s2], $0x80, v4, vm0, $0xb8;
	[tilespmem:$0x1A400] =	vst v63  }
0x149: {  	s15 =	simm.s32 $0xF400  }
0x14a: {  	[tilespmem:s15], [sflag:$0x2] =	stream.indirect_vreg.gather [hbm4b:s3+s2], $0x80, v3, vm0, $0xb8;
	[tilespmem:$0x1A400] =	vst v63  }
0x14b: {  	s15 =	simm.s32 $0xFC00  }
0x14c: {  	[tilespmem:s15], [sflag:$0x2] =	stream.indirect_vreg.gather [hbm4b:s5+s2], $0x80, v3, vm0, $0xb8;
	[tilespmem:$0x1A400] =	vst v63  }
0x14d: {  	v3 =	vld [tilespmem:s13+$0xFFFFFFC0];
	_ =	sdelay $0x4  }
0x14e: {  	v59 =	vshll.u32 v3, $0x2  }
0x14f: {  	v3 =	vand.u32 $0x7, v3;
	v4 =	vand.u32 $0xFFFFFFE0, v59  }
0x150: {  	v3 =	vor.u32 v3, v4  }
0x151: {  	v4 =	vperm.xlane v3, v0;
	_ =	sdelay $0x1  }
0x152: {  	v4 =	vadd.s32 v1, v4;
	_ =	sdelay $0x1  }
0x153: {  	v3 =	vperm.xlane v3, v2;
	_ =	sdelay $0x1  }
0x154: {  	s15 =	simm.s32 $0x10400;
	v3 =	vadd.s32 v1, v3  }
0x155: {  	[tilespmem:s15], [sflag:$0x2] =	stream.indirect_vreg.gather [hbm4b:s3+s2], $0x80, v4, vm0, $0xb8;
	[tilespmem:$0x1A400] =	vst v63  }
0x156: {  	s15 =	simm.s32 $0x10C00  }
0x157: {  	[tilespmem:s15], [sflag:$0x2] =	stream.indirect_vreg.gather [hbm4b:s5+s2], $0x80, v4, vm0, $0xb8;
	[tilespmem:$0x1A400] =	vst v63  }
0x158: {  	_ = 	snop  }
0x159: {  	[tilespmem:s16], [sflag:$0x2] =	stream.indirect_vreg.gather [hbm4b:s3+s2], $0x80, v3, vm0, $0xb8;
	[tilespmem:$0x1A400] =	vst v63  }
0x15a: {  	_ = 	snop  }
0x15b: {  	[tilespmem:s17], [sflag:$0x2] =	stream.indirect_vreg.gather [hbm4b:s5+s2], $0x80, v3, vm0, $0xb8;
	[tilespmem:$0x1A400] =	vst v63  }
0x15c: {  	v3 =	vld [tilespmem:s13+$0xFFFFFFD0];
	_ =	sdelay $0x4  }
0x15d: {  	v60 =	vshll.u32 v3, $0x2  }
0x15e: {  	v3 =	vand.u32 $0x7, v3;
	v4 =	vand.u32 $0xFFFFFFE0, v60  }
0x15f: {  	v3 =	vor.u32 v3, v4  }
0x160: {  	v4 =	vperm.xlane v3, v0;
	_ =	sdelay $0x1  }
0x161: {  	v4 =	vadd.s32 v1, v4;
	_ =	sdelay $0x1  }
0x162: {  	v3 =	vperm.xlane v3, v2;
	_ =	sdelay $0x1  }
0x163: {  	v3 =	vadd.s32 v1, v3  }
0x164: {  	[tilespmem:s18], [sflag:$0x2] =	stream.indirect_vreg.gather [hbm4b:s3+s2], $0x80, v4, vm0, $0xb8;
	[tilespmem:$0x1A400] =	vst v63  }
0x165: {  	_ = 	snop  }
0x166: {  	[tilespmem:s19], [sflag:$0x2] =	stream.indirect_vreg.gather [hbm4b:s5+s2], $0x80, v4, vm0, $0xb8;
	[tilespmem:$0x1A400] =	vst v63  }
0x167: {  	_ = 	snop  }
0x168: {  	[tilespmem:s20], [sflag:$0x2] =	stream.indirect_vreg.gather [hbm4b:s3+s2], $0x80, v3, vm0, $0xb8;
	[tilespmem:$0x1A400] =	vst v63  }
0x169: {  	_ = 	snop  }
0x16a: {  	[tilespmem:s21], [sflag:$0x2] =	stream.indirect_vreg.gather [hbm4b:s5+s2], $0x80, v3, vm0, $0xb8;
	[tilespmem:$0x1A400] =	vst v63  }
0x16b: {  	v3 =	vld [tilespmem:s13+$0xFFFFFFE0];
	_ =	sdelay $0x4  }
0x16c: {  	v61 =	vshll.u32 v3, $0x2  }
0x16d: {  	v3 =	vand.u32 $0x7, v3;
	v4 =	vand.u32 $0xFFFFFFE0, v61  }
0x16e: {  	v3 =	vor.u32 v3, v4  }
0x16f: {  	v4 =	vperm.xlane v3, v0;
	_ =	sdelay $0x1  }
0x170: {  	v4 =	vadd.s32 v1, v4;
	_ =	sdelay $0x1  }
0x171: {  	v3 =	vperm.xlane v3, v2;
	_ =	sdelay $0x1  }
0x172: {  	v3 =	vadd.s32 v1, v3  }
0x173: {  	[tilespmem:s22], [sflag:$0x2] =	stream.indirect_vreg.gather [hbm4b:s3+s2], $0x80, v4, vm0, $0xb8;
	[tilespmem:$0x1A400] =	vst v63  }
0x174: {  	_ = 	snop  }
0x175: {  	[tilespmem:s23], [sflag:$0x2] =	stream.indirect_vreg.gather [hbm4b:s5+s2], $0x80, v4, vm0, $0xb8;
	[tilespmem:$0x1A400] =	vst v63  }
0x176: {  	_ = 	snop  }
0x177: {  	[tilespmem:s24], [sflag:$0x2] =	stream.indirect_vreg.gather [hbm4b:s3+s2], $0x80, v3, vm0, $0xb8;
	[tilespmem:$0x1A400] =	vst v63  }
0x178: {  	_ = 	snop  }
0x179: {  	[tilespmem:s25], [sflag:$0x2] =	stream.indirect_vreg.gather [hbm4b:s5+s2], $0x80, v3, vm0, $0xb8;
	[tilespmem:$0x1A400] =	vst v63  }
0x17a: {  	v3 =	vld [tilespmem:s13+$0xFFFFFFF0];
	_ =	sdelay $0x4  }
0x17b: {  	v62 =	vshll.u32 v3, $0x2  }
0x17c: {  	v3 =	vand.u32 $0x7, v3;
	v4 =	vand.u32 $0xFFFFFFE0, v62  }
0x17d: {  	v3 =	vor.u32 v3, v4  }
0x17e: {  	v4 =	vperm.xlane v3, v0;
	_ =	sdelay $0x1  }
0x17f: {  	v4 =	vadd.s32 v1, v4;
	_ =	sdelay $0x1  }
0x180: {  	v3 =	vperm.xlane v3, v2;
	_ =	sdelay $0x1  }
0x181: {  	v3 =	vadd.s32 v1, v3  }
0x182: {  	[tilespmem:s26], [sflag:$0x2] =	stream.indirect_vreg.gather [hbm4b:s3+s2], $0x80, v4, vm0, $0xb8;
	[tilespmem:$0x1A400] =	vst v63  }
0x183: {  	_ = 	snop  }
0x184: {  	[tilespmem:s28], [sflag:$0x2] =	stream.indirect_vreg.gather [hbm4b:s5+s2], $0x80, v4, vm0, $0xb8;
	[tilespmem:$0x1A400] =	vst v63  }
0x185: {  	_ = 	snop  }
0x186: {  	[tilespmem:s29], [sflag:$0x2] =	stream.indirect_vreg.gather [hbm4b:s3+s2], $0x80, v3, vm0, $0xb8;
	[tilespmem:$0x1A400] =	vst v63  }
0x187: {  	_ = 	snop  }
0x188: {  	[tilespmem:s30], [sflag:$0x2] =	stream.indirect_vreg.gather [hbm4b:s5+s2], $0x80, v3, vm0, $0xb8;
	[tilespmem:$0x1A400] =	vst v63  }
0x189: {  	v3 =	vld [tilespmem:s13+$0x0];
	_ =	sdelay $0x4  }
0x18a: {  	v63 =	vshll.u32 v3, $0x2  }
0x18b: {  	v3 =	vand.u32 $0x7, v3;
	v4 =	vand.u32 $0xFFFFFFE0, v63  }
0x18c: {  	v3 =	vor.u32 v3, v4  }
0x18d: {  	v4 =	vperm.xlane v3, v0;
	_ =	sdelay $0x1  }
0x18e: {  	v4 =	vadd.s32 v1, v4;
	_ =	sdelay $0x2  }
0x18f: {  	v3 =	vperm.xlane v3, v2;
	_ =	sdelay $0x1  }
0x190: {  	v3 =	vadd.s32 v1, v3;
	[tilespmem:s31], [sflag:$0x2] =	stream.indirect_vreg.gather [hbm4b:s3+s2], $0x80, v4, vm0, $0xb8;
	[tilespmem:$0x1A400] =	vst v63  }
0x191: {  	p0 =	sne.s32 s11, $0xFFFFD000  }
0x192: {  	[tilespmem:s0], [sflag:$0x2] =	stream.indirect_vreg.gather [hbm4b:s5+s2], $0x80, v4, vm0, $0xb8;
	[tilespmem:$0x1A400] =	vst v63  }
.Ltmp0:
0x193: {  	_ = 	snop;
	(pc) =	sbr.rel @p0 .LBB2_2-.Ltmp0, $4  }
0x194: {  	_ = 	snop  }
0x195: {  	[tilespmem:s1], [sflag:$0x2] =	stream.indirect_vreg.gather [hbm4b:s3+s2], $0x80, v3, vm0, $0xb8;
	[tilespmem:$0x1A400] =	vst v63  }
0x196: {  	s11 =	sadd.s32 $0x3000, s11;
	s13 =	sadd.s32 $0x100, s13  }
0x197: {  	[tilespmem:s4], [sflag:$0x2] =	stream.indirect_vreg.gather [hbm4b:s5+s2], $0x80, v3, vm0, $0xb8;
	[tilespmem:$0x1A400] =	vst v63  }
0x198: {  	_ =	swait.ge [sflag:s6], $0xC000  }
0x199: {  	[sflag:s6] =	ssyncset.done $0x0  }
0x19a: {  	s11 =	rddreg [dreg:$0x6];
	[sflag:s6] =	ssyncadd.s32 $0xFFFF4000  }
0x19b: {  	[hbm4b:s11+s2] =	stream.linear.scatter [tilespmem:s9], [sflag:$0x4], $0xC000, $0x38;
	[tilespmem:$0x1A400] =	vst v63  }
0x19c: {  	_ =	swait.ge [sflag:s7], $0xC000  }
0x19d: {  	[sflag:s7] =	ssyncset.done $0x0  }
0x19e: {  	[sflag:s7] =	ssyncadd.s32 $0xFFFF4000  }
0x19f: {  	v3 =	vld [tilespmem:$0x2100];
	_ =	sdelay $0x4  }
0x1a0: {  	v4 =	vshll.u32 v3, $0x2  }
0x1a1: {  	v3 =	vand.u32 $0x7, v3;
	v4 =	vand.u32 $0xFFFFFFE0, v4  }
0x1a2: {  	v3 =	vor.u32 v3, v4  }
0x1a3: {  	v4 =	vperm.xlane v3, v0;
	_ =	sdelay $0x1  }
0x1a4: {  	v4 =	vadd.s32 v1, v4;
	_ =	sdelay $0x1  }
0x1a5: {  	v3 =	vperm.xlane v3, v2;
	_ =	sdelay $0x1  }
0x1a6: {  	v3 =	vadd.s32 v1, v3  }
0x1a7: {  	[tilespmem:s12], [sflag:$0x1] =	stream.indirect_vreg.gather [hbm4b:s3+s2], $0x80, v4, vm0, $0xb8;
	[tilespmem:$0x1A400] =	vst v63  }
0x1a8: {  	s15 =	simm.s32 $0x2C00  }
0x1a9: {  	[tilespmem:s15], [sflag:$0x1] =	stream.indirect_vreg.gather [hbm4b:s5+s2], $0x80, v4, vm0, $0xb8;
	[tilespmem:$0x1A400] =	vst v63  }
0x1aa: {  	s13 =	simm.s32 $0x3400  }
0x1ab: {  	[tilespmem:s13], [sflag:$0x1] =	stream.indirect_vreg.gather [hbm4b:s3+s2], $0x80, v3, vm0, $0xb8;
	[tilespmem:$0x1A400] =	vst v63  }
0x1ac: {  	s14 =	simm.s32 $0x3C00  }
0x1ad: {  	[tilespmem:s14], [sflag:$0x1] =	stream.indirect_vreg.gather [hbm4b:s5+s2], $0x80, v3, vm0, $0xb8;
	[tilespmem:$0x1A400] =	vst v63  }
0x1ae: {  	v3 =	vld [tilespmem:$0x2110];
	_ =	sdelay $0x4  }
0x1af: {  	v53 =	vshll.u32 v3, $0x2  }
0x1b0: {  	v3 =	vand.u32 $0x7, v3;
	v4 =	vand.u32 $0xFFFFFFE0, v53  }
0x1b1: {  	v3 =	vor.u32 v3, v4  }
0x1b2: {  	v4 =	vperm.xlane v3, v0;
	_ =	sdelay $0x1  }
0x1b3: {  	v4 =	vadd.s32 v1, v4;
	_ =	sdelay $0x1  }
0x1b4: {  	v3 =	vperm.xlane v3, v2;
	_ =	sdelay $0x1  }
0x1b5: {  	s15 =	simm.s32 $0x4400;
	v3 =	vadd.s32 v1, v3  }
0x1b6: {  	[tilespmem:s15], [sflag:$0x1] =	stream.indirect_vreg.gather [hbm4b:s3+s2], $0x80, v4, vm0, $0xb8;
	[tilespmem:$0x1A400] =	vst v63  }
0x1b7: {  	s13 =	simm.s32 $0x4C00  }
0x1b8: {  	[tilespmem:s13], [sflag:$0x1] =	stream.indirect_vreg.gather [hbm4b:s5+s2], $0x80, v4, vm0, $0xb8;
	[tilespmem:$0x1A400] =	vst v63  }
0x1b9: {  	s14 =	simm.s32 $0x5400  }
0x1ba: {  	[tilespmem:s14], [sflag:$0x1] =	stream.indirect_vreg.gather [hbm4b:s3+s2], $0x80, v3, vm0, $0xb8;
	[tilespmem:$0x1A400] =	vst v63  }
0x1bb: {  	s15 =	simm.s32 $0x5C00  }
0x1bc: {  	[tilespmem:s15], [sflag:$0x1] =	stream.indirect_vreg.gather [hbm4b:s5+s2], $0x80, v3, vm0, $0xb8;
	[tilespmem:$0x1A400] =	vst v63  }
0x1bd: {  	v3 =	vld [tilespmem:$0x2120];
	_ =	sdelay $0x4  }
0x1be: {  	v54 =	vshll.u32 v3, $0x2  }
0x1bf: {  	v3 =	vand.u32 $0x7, v3;
	v4 =	vand.u32 $0xFFFFFFE0, v54  }
0x1c0: {  	v3 =	vor.u32 v3, v4  }
0x1c1: {  	v4 =	vperm.xlane v3, v0;
	_ =	sdelay $0x1  }
0x1c2: {  	v4 =	vadd.s32 v1, v4;
	_ =	sdelay $0x1  }
0x1c3: {  	v3 =	vperm.xlane v3, v2;
	_ =	sdelay $0x1  }
0x1c4: {  	s13 =	simm.s32 $0x6400;
	v3 =	vadd.s32 v1, v3  }
0x1c5: {  	[tilespmem:s13], [sflag:$0x1] =	stream.indirect_vreg.gather [hbm4b:s3+s2], $0x80, v4, vm0, $0xb8;
	[tilespmem:$0x1A400] =	vst v63  }
0x1c6: {  	s14 =	simm.s32 $0x6C00  }
0x1c7: {  	[tilespmem:s14], [sflag:$0x1] =	stream.indirect_vreg.gather [hbm4b:s5+s2], $0x80, v4, vm0, $0xb8;
	[tilespmem:$0x1A400] =	vst v63  }
0x1c8: {  	s15 =	simm.s32 $0x7400  }
0x1c9: {  	[tilespmem:s15], [sflag:$0x1] =	stream.indirect_vreg.gather [hbm4b:s3+s2], $0x80, v3, vm0, $0xb8;
	[tilespmem:$0x1A400] =	vst v63  }
0x1ca: {  	s13 =	simm.s32 $0x7C00  }
0x1cb: {  	[tilespmem:s13], [sflag:$0x1] =	stream.indirect_vreg.gather [hbm4b:s5+s2], $0x80, v3, vm0, $0xb8;
	[tilespmem:$0x1A400] =	vst v63  }
0x1cc: {  	v3 =	vld [tilespmem:$0x2130];
	_ =	sdelay $0x4  }
0x1cd: {  	v55 =	vshll.u32 v3, $0x2  }
0x1ce: {  	v3 =	vand.u32 $0x7, v3;
	v4 =	vand.u32 $0xFFFFFFE0, v55  }
0x1cf: {  	v3 =	vor.u32 v3, v4  }
0x1d0: {  	v4 =	vperm.xlane v3, v0;
	_ =	sdelay $0x1  }
0x1d1: {  	v4 =	vadd.s32 v1, v4;
	_ =	sdelay $0x1  }
0x1d2: {  	v3 =	vperm.xlane v3, v2;
	_ =	sdelay $0x1  }
0x1d3: {  	s14 =	simm.s32 $0x8400;
	v3 =	vadd.s32 v1, v3  }
0x1d4: {  	[tilespmem:s14], [sflag:$0x1] =	stream.indirect_vreg.gather [hbm4b:s3+s2], $0x80, v4, vm0, $0xb8;
	[tilespmem:$0x1A400] =	vst v63  }
0x1d5: {  	s15 =	simm.s32 $0x8C00  }
0x1d6: {  	[tilespmem:s15], [sflag:$0x1] =	stream.indirect_vreg.gather [hbm4b:s5+s2], $0x80, v4, vm0, $0xb8;
	[tilespmem:$0x1A400] =	vst v63  }
0x1d7: {  	s13 =	simm.s32 $0x9400  }
0x1d8: {  	[tilespmem:s13], [sflag:$0x1] =	stream.indirect_vreg.gather [hbm4b:s3+s2], $0x80, v3, vm0, $0xb8;
	[tilespmem:$0x1A400] =	vst v63  }
0x1d9: {  	s14 =	simm.s32 $0x9C00  }
0x1da: {  	[tilespmem:s14], [sflag:$0x1] =	stream.indirect_vreg.gather [hbm4b:s5+s2], $0x80, v3, vm0, $0xb8;
	[tilespmem:$0x1A400] =	vst v63  }
0x1db: {  	v3 =	vld [tilespmem:$0x2140];
	_ =	sdelay $0x4  }
0x1dc: {  	v56 =	vshll.u32 v3, $0x2  }
0x1dd: {  	v3 =	vand.u32 $0x7, v3;
	v4 =	vand.u32 $0xFFFFFFE0, v56  }
0x1de: {  	v3 =	vor.u32 v3, v4  }
0x1df: {  	v4 =	vperm.xlane v3, v0;
	_ =	sdelay $0x1  }
0x1e0: {  	v4 =	vadd.s32 v1, v4;
	_ =	sdelay $0x1  }
0x1e1: {  	v3 =	vperm.xlane v3, v2;
	_ =	sdelay $0x1  }
0x1e2: {  	s15 =	simm.s32 $0xA400;
	v3 =	vadd.s32 v1, v3  }
0x1e3: {  	[tilespmem:s15], [sflag:$0x1] =	stream.indirect_vreg.gather [hbm4b:s3+s2], $0x80, v4, vm0, $0xb8;
	[tilespmem:$0x1A400] =	vst v63  }
0x1e4: {  	s13 =	simm.s32 $0xAC00  }
0x1e5: {  	[tilespmem:s13], [sflag:$0x1] =	stream.indirect_vreg.gather [hbm4b:s5+s2], $0x80, v4, vm0, $0xb8;
	[tilespmem:$0x1A400] =	vst v63  }
0x1e6: {  	s14 =	simm.s32 $0xB400  }
0x1e7: {  	[tilespmem:s14], [sflag:$0x1] =	stream.indirect_vreg.gather [hbm4b:s3+s2], $0x80, v3, vm0, $0xb8;
	[tilespmem:$0x1A400] =	vst v63  }
0x1e8: {  	s15 =	simm.s32 $0xBC00  }
0x1e9: {  	[tilespmem:s15], [sflag:$0x1] =	stream.indirect_vreg.gather [hbm4b:s5+s2], $0x80, v3, vm0, $0xb8;
	[tilespmem:$0x1A400] =	vst v63  }
0x1ea: {  	v3 =	vld [tilespmem:$0x2150];
	_ =	sdelay $0x4  }
0x1eb: {  	v57 =	vshll.u32 v3, $0x2  }
0x1ec: {  	v3 =	vand.u32 $0x7, v3;
	v4 =	vand.u32 $0xFFFFFFE0, v57  }
0x1ed: {  	v3 =	vor.u32 v3, v4  }
0x1ee: {  	v4 =	vperm.xlane v3, v0;
	_ =	sdelay $0x1  }
0x1ef: {  	v4 =	vadd.s32 v1, v4;
	_ =	sdelay $0x1  }
0x1f0: {  	v3 =	vperm.xlane v3, v2;
	_ =	sdelay $0x1  }
0x1f1: {  	s13 =	simm.s32 $0xC400;
	v3 =	vadd.s32 v1, v3  }
0x1f2: {  	[tilespmem:s13], [sflag:$0x1] =	stream.indirect_vreg.gather [hbm4b:s3+s2], $0x80, v4, vm0, $0xb8;
	[tilespmem:$0x1A400] =	vst v63  }
0x1f3: {  	s14 =	simm.s32 $0xCC00  }
0x1f4: {  	[tilespmem:s14], [sflag:$0x1] =	stream.indirect_vreg.gather [hbm4b:s5+s2], $0x80, v4, vm0, $0xb8;
	[tilespmem:$0x1A400] =	vst v63  }
0x1f5: {  	s15 =	simm.s32 $0xD400  }
0x1f6: {  	[tilespmem:s15], [sflag:$0x1] =	stream.indirect_vreg.gather [hbm4b:s3+s2], $0x80, v3, vm0, $0xb8;
	[tilespmem:$0x1A400] =	vst v63  }
0x1f7: {  	s13 =	simm.s32 $0xDC00  }
0x1f8: {  	[tilespmem:s13], [sflag:$0x1] =	stream.indirect_vreg.gather [hbm4b:s5+s2], $0x80, v3, vm0, $0xb8;
	[tilespmem:$0x1A400] =	vst v63  }
0x1f9: {  	_ =	swait.ge [sflag:s8], $0xC000  }
0x1fa: {  	[sflag:s8] =	ssyncset.done $0x0  }
0x1fb: {  	s14 =	rddreg [dreg:$0x7];
	[sflag:s8] =	ssyncadd.s32 $0xFFFF4000  }
0x1fc: {  	[hbm4b:s14+s2] =	stream.linear.scatter [tilespmem:s12], [sflag:$0x3], $0xC000, $0x38;
	[tilespmem:$0x1A400] =	vst v63  }
0x1fd: {  	_ =	swait.ge [sflag:s10], $0xC000  }
0x1fe: {  	[sflag:s10] =	ssyncset.done $0x0  }
0x1ff: {  	[sflag:s10] =	ssyncadd.s32 $0xFFFF4000  }
0x200: {  	v3 =	vld [tilespmem:$0x2180];
	_ =	sdelay $0x4  }
0x201: {  	v58 =	vshll.u32 v3, $0x2  }
0x202: {  	v3 =	vand.u32 $0x7, v3;
	v4 =	vand.u32 $0xFFFFFFE0, v58  }
0x203: {  	v3 =	vor.u32 v3, v4  }
0x204: {  	v4 =	vperm.xlane v3, v0;
	_ =	sdelay $0x1  }
0x205: {  	v4 =	vadd.s32 v1, v4;
	_ =	sdelay $0x1  }
0x206: {  	v3 =	vperm.xlane v3, v2;
	_ =	sdelay $0x1  }
0x207: {  	v3 =	vadd.s32 v1, v3  }
0x208: {  	[tilespmem:s9], [sflag:$0x2] =	stream.indirect_vreg.gather [hbm4b:s3+s2], $0x80, v4, vm0, $0xb8;
	[tilespmem:$0x1A400] =	vst v63  }
0x209: {  	s15 =	simm.s32 $0xEC00  }
0x20a: {  	[tilespmem:s15], [sflag:$0x2] =	stream.indirect_vreg.gather [hbm4b:s5+s2], $0x80, v4, vm0, $0xb8;
	[tilespmem:$0x1A400] =	vst v63  }
0x20b: {  	s13 =	simm.s32 $0xF400  }
0x20c: {  	[tilespmem:s13], [sflag:$0x2] =	stream.indirect_vreg.gather [hbm4b:s3+s2], $0x80, v3, vm0, $0xb8;
	[tilespmem:$0x1A400] =	vst v63  }
0x20d: {  	s14 =	simm.s32 $0xFC00  }
0x20e: {  	[tilespmem:s14], [sflag:$0x2] =	stream.indirect_vreg.gather [hbm4b:s5+s2], $0x80, v3, vm0, $0xb8;
	[tilespmem:$0x1A400] =	vst v63  }
0x20f: {  	v3 =	vld [tilespmem:$0x2190];
	_ =	sdelay $0x4  }
0x210: {  	v59 =	vshll.u32 v3, $0x2  }
0x211: {  	v3 =	vand.u32 $0x7, v3;
	v4 =	vand.u32 $0xFFFFFFE0, v59  }
0x212: {  	v3 =	vor.u32 v3, v4  }
0x213: {  	v4 =	vperm.xlane v3, v0;
	_ =	sdelay $0x1  }
0x214: {  	v4 =	vadd.s32 v1, v4;
	_ =	sdelay $0x1  }
0x215: {  	v3 =	vperm.xlane v3, v2;
	_ =	sdelay $0x1  }
0x216: {  	s15 =	simm.s32 $0x10400;
	v3 =	vadd.s32 v1, v3  }
0x217: {  	[tilespmem:s15], [sflag:$0x2] =	stream.indirect_vreg.gather [hbm4b:s3+s2], $0x80, v4, vm0, $0xb8;
	[tilespmem:$0x1A400] =	vst v63  }
0x218: {  	s13 =	simm.s32 $0x10C00  }
0x219: {  	[tilespmem:s13], [sflag:$0x2] =	stream.indirect_vreg.gather [hbm4b:s5+s2], $0x80, v4, vm0, $0xb8;
	[tilespmem:$0x1A400] =	vst v63  }
0x21a: {  	_ = 	snop  }
0x21b: {  	[tilespmem:s16], [sflag:$0x2] =	stream.indirect_vreg.gather [hbm4b:s3+s2], $0x80, v3, vm0, $0xb8;
	[tilespmem:$0x1A400] =	vst v63  }
0x21c: {  	_ = 	snop  }
0x21d: {  	[tilespmem:s17], [sflag:$0x2] =	stream.indirect_vreg.gather [hbm4b:s5+s2], $0x80, v3, vm0, $0xb8;
	[tilespmem:$0x1A400] =	vst v63  }
0x21e: {  	v3 =	vld [tilespmem:$0x21A0];
	_ =	sdelay $0x4  }
0x21f: {  	v60 =	vshll.u32 v3, $0x2  }
0x220: {  	v3 =	vand.u32 $0x7, v3;
	v4 =	vand.u32 $0xFFFFFFE0, v60  }
0x221: {  	v3 =	vor.u32 v3, v4  }
0x222: {  	v4 =	vperm.xlane v3, v0;
	_ =	sdelay $0x1  }
0x223: {  	v4 =	vadd.s32 v1, v4;
	_ =	sdelay $0x1  }
0x224: {  	v3 =	vperm.xlane v3, v2;
	_ =	sdelay $0x1  }
0x225: {  	v3 =	vadd.s32 v1, v3  }
0x226: {  	[tilespmem:s18], [sflag:$0x2] =	stream.indirect_vreg.gather [hbm4b:s3+s2], $0x80, v4, vm0, $0xb8;
	[tilespmem:$0x1A400] =	vst v63  }
0x227: {  	_ = 	snop  }
0x228: {  	[tilespmem:s19], [sflag:$0x2] =	stream.indirect_vreg.gather [hbm4b:s5+s2], $0x80, v4, vm0, $0xb8;
	[tilespmem:$0x1A400] =	vst v63  }
0x229: {  	_ = 	snop  }
0x22a: {  	[tilespmem:s20], [sflag:$0x2] =	stream.indirect_vreg.gather [hbm4b:s3+s2], $0x80, v3, vm0, $0xb8;
	[tilespmem:$0x1A400] =	vst v63  }
0x22b: {  	_ = 	snop  }
0x22c: {  	[tilespmem:s21], [sflag:$0x2] =	stream.indirect_vreg.gather [hbm4b:s5+s2], $0x80, v3, vm0, $0xb8;
	[tilespmem:$0x1A400] =	vst v63  }
0x22d: {  	v3 =	vld [tilespmem:$0x21B0];
	_ =	sdelay $0x4  }
0x22e: {  	v61 =	vshll.u32 v3, $0x2  }
0x22f: {  	v3 =	vand.u32 $0x7, v3;
	v4 =	vand.u32 $0xFFFFFFE0, v61  }
0x230: {  	v3 =	vor.u32 v3, v4  }
0x231: {  	v4 =	vperm.xlane v3, v0;
	_ =	sdelay $0x1  }
0x232: {  	v4 =	vadd.s32 v1, v4;
	_ =	sdelay $0x1  }
0x233: {  	v3 =	vperm.xlane v3, v2;
	_ =	sdelay $0x1  }
0x234: {  	v3 =	vadd.s32 v1, v3  }
0x235: {  	[tilespmem:s22], [sflag:$0x2] =	stream.indirect_vreg.gather [hbm4b:s3+s2], $0x80, v4, vm0, $0xb8;
	[tilespmem:$0x1A400] =	vst v63  }
0x236: {  	_ = 	snop  }
0x237: {  	[tilespmem:s23], [sflag:$0x2] =	stream.indirect_vreg.gather [hbm4b:s5+s2], $0x80, v4, vm0, $0xb8;
	[tilespmem:$0x1A400] =	vst v63  }
0x238: {  	_ = 	snop  }
0x239: {  	[tilespmem:s24], [sflag:$0x2] =	stream.indirect_vreg.gather [hbm4b:s3+s2], $0x80, v3, vm0, $0xb8;
	[tilespmem:$0x1A400] =	vst v63  }
0x23a: {  	_ = 	snop  }
0x23b: {  	[tilespmem:s25], [sflag:$0x2] =	stream.indirect_vreg.gather [hbm4b:s5+s2], $0x80, v3, vm0, $0xb8;
	[tilespmem:$0x1A400] =	vst v63  }
0x23c: {  	v3 =	vld [tilespmem:$0x21C0];
	_ =	sdelay $0x4  }
0x23d: {  	v62 =	vshll.u32 v3, $0x2  }
0x23e: {  	v3 =	vand.u32 $0x7, v3;
	v4 =	vand.u32 $0xFFFFFFE0, v62  }
0x23f: {  	v3 =	vor.u32 v3, v4  }
0x240: {  	v4 =	vperm.xlane v3, v0;
	_ =	sdelay $0x1  }
0x241: {  	v4 =	vadd.s32 v1, v4;
	_ =	sdelay $0x1  }
0x242: {  	v3 =	vperm.xlane v3, v2;
	_ =	sdelay $0x1  }
0x243: {  	v3 =	vadd.s32 v1, v3  }
0x244: {  	[tilespmem:s26], [sflag:$0x2] =	stream.indirect_vreg.gather [hbm4b:s3+s2], $0x80, v4, vm0, $0xb8;
	[tilespmem:$0x1A400] =	vst v63  }
0x245: {  	_ = 	snop  }
0x246: {  	[tilespmem:s28], [sflag:$0x2] =	stream.indirect_vreg.gather [hbm4b:s5+s2], $0x80, v4, vm0, $0xb8;
	[tilespmem:$0x1A400] =	vst v63  }
0x247: {  	_ = 	snop  }
0x248: {  	[tilespmem:s29], [sflag:$0x2] =	stream.indirect_vreg.gather [hbm4b:s3+s2], $0x80, v3, vm0, $0xb8;
	[tilespmem:$0x1A400] =	vst v63  }
0x249: {  	_ = 	snop  }
0x24a: {  	[tilespmem:s30], [sflag:$0x2] =	stream.indirect_vreg.gather [hbm4b:s5+s2], $0x80, v3, vm0, $0xb8;
	[tilespmem:$0x1A400] =	vst v63  }
0x24b: {  	v3 =	vld [tilespmem:$0x21D0];
	_ =	sdelay $0x4  }
0x24c: {  	v63 =	vshll.u32 v3, $0x2  }
0x24d: {  	v3 =	vand.u32 $0x7, v3;
	v4 =	vand.u32 $0xFFFFFFE0, v63  }
0x24e: {  	v3 =	vor.u32 v3, v4  }
0x24f: {  	v4 =	vperm.xlane v3, v0;
	_ =	sdelay $0x1  }
0x250: {  	v4 =	vadd.s32 v1, v4;
	_ =	sdelay $0x1  }
0x251: {  	v3 =	vperm.xlane v3, v2;
	_ =	sdelay $0x1  }
0x252: {  	v3 =	vadd.s32 v1, v3  }
0x253: {  	[tilespmem:s31], [sflag:$0x2] =	stream.indirect_vreg.gather [hbm4b:s3+s2], $0x80, v4, vm0, $0xb8;
	[tilespmem:$0x1A400] =	vst v63  }
0x254: {  	_ = 	snop  }
0x255: {  	[tilespmem:s0], [sflag:$0x2] =	stream.indirect_vreg.gather [hbm4b:s5+s2], $0x80, v4, vm0, $0xb8;
	[tilespmem:$0x1A400] =	vst v63  }
0x256: {  	_ = 	snop  }
0x257: {  	[tilespmem:s1], [sflag:$0x2] =	stream.indirect_vreg.gather [hbm4b:s3+s2], $0x80, v3, vm0, $0xb8;
	[tilespmem:$0x1A400] =	vst v63  }
0x258: {  	_ = 	snop  }
0x259: {  	[tilespmem:s4], [sflag:$0x2] =	stream.indirect_vreg.gather [hbm4b:s5+s2], $0x80, v3, vm0, $0xb8;
	[tilespmem:$0x1A400] =	vst v63  }
0x25a: {  	_ =	swait.ge [sflag:s6], $0xC000  }
0x25b: {  	[sflag:s6] =	ssyncset.done $0x0  }
0x25c: {  	s14 =	rddreg [dreg:$0x8];
	[sflag:s6] =	ssyncadd.s32 $0xFFFF4000  }
0x25d: {  	[hbm4b:s14+s2] =	stream.linear.scatter [tilespmem:s9], [sflag:$0x4], $0xC000, $0x38;
	[tilespmem:$0x1A400] =	vst v63  }
0x25e: {  	_ =	swait.ge [sflag:s7], $0xC000  }
0x25f: {  	[sflag:s7] =	ssyncset.done $0x0  }
0x260: {  	[sflag:s7] =	ssyncadd.s32 $0xFFFF4000  }
0x261: {  	_ =	swait.ge [sflag:s10], $0xC000  }
0x262: {  	s13 =	rddreg [dreg:$0xa]  }
0x263: {  	s15 =	rddreg [dreg:$0x9];
	s13 =	sadd.s32 $0x1, s13  }
0x264: {  	p0 =	sne.s32 s13, s15  }
.Ltmp1:
0x265: {  	_ = 	snop;
	(pc) =	sbr.rel @p0 .LBB2_1-.Ltmp1, $3  }
0x266: {  	_ =	sdelay $0x1  }
0x267: {  	[sflag:s10] =	ssyncset.done $0x0  }
0x268: {  	[sflag:s10] =	ssyncadd.s32 $0xFFFF4000  }
0x269: {  	_ =	sfence.sel $0x180000  }
0x26a: {  	[bflag:$0x0] =	sbarrier.arrive $0xFFFF  }
0x26b: {  	_ =	strace $0x90000047  }
0x26c: {  	s0 =	stileid.u32;
	[bflag:$0x2] =	sbarrier.arrive $0xFFFF  }
0x26d: {  	p0 =	sne.s32 s0, $0x0;
	s0 =	rddreg [dreg:$0x2]  }
0x26e: {  	s0 =	sadd.s32 @!p0 $0x100000, s0  }
0x26f: {  	[sflag:s0] =	ssyncadd.tile.s32 @!p0 $0x1;
	_ =	shalt  }
.Lfunc_end2:
_tile_overlayer_lowered:
.L_overlay_start_2:
0x270: {  	(tag) =	ssettag $0x2  }
0x271: {  	s0 =	rddreg [dreg:$0x0];
	s2 =	stileid.u32  }
0x272: {  	s1 =	rddreg [dreg:$0x1];
	p0 =	sne.s32 s2, $0x0  }
0x273: {  	s3 =	rddreg [dreg:$0x2];
	[bflag:$0x3] =	sbarrier.arrive $0xFFFF;
	s2 =	simm.s32 @!p0 $0x1C05  }
0x274: {  	[timem:s3], [sflag:s2] =	dma.local @!p0 [hbm:s0], s1  }
0x275: {  	s0 =	simm.s32 @!p0 $0x5  }
0x276: {  	_ =	swait.ge @!p0 [sflag:s0], s1  }
0x277: {  	s1 =	ssub.s32 @!p0 $0x0, s1;
	[sflag:s0] =	ssyncset.done @!p0 $0x0  }
0x278: {  	[sflag:s0] =	ssyncadd.s32 @!p0 s1  }
0x279: {  	[bflag:$0x3] =	sbarrier.arrive $0xFFFF  }
0x27a: {  	_ =	shalt  }

</sc_bundles>
